<compile_context>
chip_gen: v7x
topology: tpu7x:2x2x1
jax: 0.10.2.dev20260603
libtpu: 0.0.44.dev20260713+nightly
codegen_flags: <defaults>
</compile_context>

<pallas_src>
import jax
import jax.numpy as jnp
from jax import lax
from jax.experimental import pallas as pl
from jax.experimental.pallas import tpu as pltpu
from jax.experimental.pallas import tpu_sc as plsc

N_NODES = 100000
N_EDGES = 6400000
LANES = 128
ROWS = N_EDGES // LANES
NPAD = 100096
NROWS_TC = NPAD // 128
NPT = NPAD // 16

NC = 2
NS = 16
NW = NC * NS

ROWS_BASE = ROWS // NW
ROWS_REM = ROWS - ROWS_BASE * NW
KROWS = 71
CH = KROWS * LANES
FCHUNKS = ROWS_BASE // KROWS


SCALE = 16384.0


def _prep_body(theta_ref, pk_ref):
    t = theta_ref[...]
    cfix = jnp.round(jnp.cos(t) * SCALE).astype(jnp.int32)
    sfix = jnp.round(jnp.sin(t) * SCALE).astype(jnp.int32)
    pk_ref[...] = (cfix << 16) | (sfix & 0xFFFF)


def _finish_body(theta_ref, acc_ref, v0_ref, w0_ref, o_ref):
    t = theta_ref[...]
    c = jnp.cos(t)
    s = jnp.sin(t)
    Sc = acc_ref[0, 0] + acc_ref[0, 1]
    Ss = acc_ref[1, 0] + acc_ref[1, 1]
    v0v = v0_ref[0, 0]
    w0v = w0_ref[0, 0]
    o_ref[0] = v0v * c
    o_ref[1] = v0v * s
    m1 = c * Ss - s * Sc
    nrm = jnp.sqrt(Sc * Sc + Ss * Ss)
    o_ref[2] = w0v * m1 / jnp.maximum(nrm, 1e-12)


def _unpack(pack_ref, cbuf_ref, sbuf_ref, nwords):
    sh16 = jnp.full((16,), 16, jnp.int32)
    inv = jnp.full((16,), 1.0 / SCALE, jnp.float32)

    def body(i, carry):
        base = i * 64
        for j in range(4):
            u = pack_ref[pl.ds(base + j * 16, 16)]
            cfix = lax.shift_right_arithmetic(u, sh16)
            sfix = lax.shift_right_arithmetic(lax.shift_left(u, sh16), sh16)
            cbuf_ref[pl.ds(base + j * 16, 16)] = cfix.astype(jnp.float32) * inv
            sbuf_ref[pl.ds(base + j * 16, 16)] = sfix.astype(jnp.float32) * inv
        return carry

    lax.fori_loop(0, nwords // 64, body, 0)


def _sc_body(tab_hbm, edges_hbm, acc_hbm,
             idxs_a, idxs_b, idxd_a, idxd_b, pack_a, pack_b,
             cbuf_a, cbuf_b, sbuf_a, sbuf_b,
             idx1_s, idx1_d, pack1, cbuf1, sbuf1, tbuf_v,
             tab_sh, acc_c_sh, acc_s_sh, semg, sema):
    idxs = (idxs_a, idxs_b)
    idxd = (idxd_a, idxd_b)
    pack = (pack_a, pack_b)
    cbuf = (cbuf_a, cbuf_b)
    sbuf = (sbuf_a, sbuf_b)

    cid = lax.axis_index("c")
    sid = lax.axis_index("s")
    w = cid * NS + sid

    roff = sid * NPT
    zero16 = jnp.zeros((16,), jnp.float32)

    def zbody(i, carry):
        tbuf_v[pl.ds(i * 16, 16)] = zero16
        return carry

    lax.fori_loop(0, NPT // 16, zbody, 0)
    pltpu.sync_copy(tbuf_v, acc_c_sh.at[pl.ds(roff, NPT)])
    pltpu.sync_copy(tbuf_v, acc_s_sh.at[pl.ds(roff, NPT)])
    pltpu.sync_copy(tab_hbm.at[pl.ds(roff, NPT)], pack_a.at[pl.ds(0, NPT)])
    pltpu.sync_copy(pack_a.at[pl.ds(0, NPT)], tab_sh.at[pl.ds(roff, NPT)])
    plsc.subcore_barrier()

    start = w * ROWS_BASE + jnp.minimum(w, ROWS_REM)
    count = ROWS_BASE + jnp.where(w < ROWS_REM, 1, 0)
    ebase = start * LANES

    pltpu.sync_copy(edges_hbm.at[0, pl.ds(ebase, CH)], idxs[0])
    pltpu.sync_copy(edges_hbm.at[1, pl.ds(ebase, CH)], idxd[0])
    pltpu.async_copy(tab_sh.at[idxs[0]], pack[0], semg)

    def chunk_pair(g, carry):
        for b in (0, 1):
            k = 2 * g + b
            nb = 1 - b

            @pl.when(k + 1 < FCHUNKS)
            def _load_next_src():
                e0 = ebase + (k + 1) * CH
                pltpu.sync_copy(edges_hbm.at[0, pl.ds(e0, CH)], idxs[nb])

            pltpu.make_async_copy(tab_sh.at[idxs[b]], pack[b], semg).wait()

            @pl.when(k + 1 < FCHUNKS)
            def _start_next_gather():
                pltpu.async_copy(tab_sh.at[idxs[nb]], pack[nb], semg)

            _unpack(pack[b], cbuf[b], sbuf[b], CH)

            pltpu.async_copy(cbuf[b], acc_c_sh.at[idxd[b]], sema, add=True)
            pltpu.async_copy(sbuf[b], acc_s_sh.at[idxd[b]], sema, add=True)

            @pl.when(k >= 1)
            def _drain_prev_scatters():
                pltpu.make_async_copy(cbuf[nb], acc_c_sh.at[idxd[nb]],
                                      sema).wait()
                pltpu.make_async_copy(sbuf[nb], acc_s_sh.at[idxd[nb]],
                                      sema).wait()

            @pl.when(k + 1 < FCHUNKS)
            def _load_next_dst():
                e0 = ebase + (k + 1) * CH
                pltpu.sync_copy(edges_hbm.at[1, pl.ds(e0, CH)], idxd[nb])

        return carry

    lax.fori_loop(0, FCHUNKS // 2, chunk_pair, 0)
    pltpu.make_async_copy(cbuf[1], acc_c_sh.at[idxd[1]], sema).wait()
    pltpu.make_async_copy(sbuf[1], acc_s_sh.at[idxd[1]], sema).wait()

    def row_body(t, carry):
        e0 = (start + FCHUNKS * KROWS + t) * LANES
        pltpu.sync_copy(edges_hbm.at[0, pl.ds(e0, LANES)], idx1_s)
        pltpu.sync_copy(edges_hbm.at[1, pl.ds(e0, LANES)], idx1_d)
        pltpu.async_copy(tab_sh.at[idx1_s], pack1, semg).wait()
        _unpack(pack1, cbuf1, sbuf1, LANES)
        pltpu.sync_copy(cbuf1, acc_c_sh.at[idx1_d], add=True)
        pltpu.sync_copy(sbuf1, acc_s_sh.at[idx1_d], add=True)
        return carry

    lax.fori_loop(0, count - FCHUNKS * KROWS, row_body, 0)

    plsc.subcore_barrier()
    pltpu.sync_copy(acc_c_sh.at[pl.ds(roff, NPT)], tbuf_v)
    pltpu.sync_copy(tbuf_v, acc_hbm.at[pl.ds(cid * NPAD + roff, NPT)])
    pltpu.sync_copy(acc_s_sh.at[pl.ds(roff, NPT)], tbuf_v)
    pltpu.sync_copy(tbuf_v, acc_hbm.at[pl.ds(NC * NPAD + cid * NPAD + roff, NPT)])


def kernel(theta, edge_index, v0, w0):
    th_flat = jnp.pad(theta.reshape(-1), (0, NPAD - N_NODES))
    th_r = th_flat.reshape(NROWS_TC, 128)

    ptab = pl.pallas_call(
        _prep_body,
        out_shape=jax.ShapeDtypeStruct((NROWS_TC, 128), jnp.int32),
    )(th_r)

    mesh = plsc.VectorSubcoreMesh(core_axis_name="c", subcore_axis_name="s")
    sc_call = pl.kernel(
        _sc_body,
        mesh=mesh,
        out_type=jax.ShapeDtypeStruct((2 * NC * NPAD,), jnp.float32),
        scratch_types=[
            pltpu.VMEM((CH,), jnp.int32),
            pltpu.VMEM((CH,), jnp.int32),
            pltpu.VMEM((CH,), jnp.int32),
            pltpu.VMEM((CH,), jnp.int32),
            pltpu.VMEM((CH,), jnp.int32),
            pltpu.VMEM((CH,), jnp.int32),
            pltpu.VMEM((CH,), jnp.float32),
            pltpu.VMEM((CH,), jnp.float32),
            pltpu.VMEM((CH,), jnp.float32),
            pltpu.VMEM((CH,), jnp.float32),
            pltpu.VMEM((LANES,), jnp.int32),
            pltpu.VMEM((LANES,), jnp.int32),
            pltpu.VMEM((LANES,), jnp.int32),
            pltpu.VMEM((LANES,), jnp.float32),
            pltpu.VMEM((LANES,), jnp.float32),
            pltpu.VMEM((NPT,), jnp.float32),
            pltpu.VMEM_SHARED((NPAD,), jnp.int32),
            pltpu.VMEM_SHARED((NPAD,), jnp.float32),
            pltpu.VMEM_SHARED((NPAD,), jnp.float32),
            pltpu.SemaphoreType.DMA,
            pltpu.SemaphoreType.DMA,
        ],
        compiler_params=pltpu.CompilerParams(needs_layout_passes=False),
    )
    acc = sc_call(ptab.reshape(NPAD), edge_index)

    o = pl.pallas_call(
        _finish_body,
        out_shape=jax.ShapeDtypeStruct((3, NROWS_TC, 128), jnp.float32),
        in_specs=[
            pl.BlockSpec(memory_space=pltpu.VMEM),
            pl.BlockSpec(memory_space=pltpu.VMEM),
            pl.BlockSpec(memory_space=pltpu.SMEM),
            pl.BlockSpec(memory_space=pltpu.SMEM),
        ],
    )(th_r, acc.reshape(2, NC, NROWS_TC, 128),
      v0.astype(jnp.float32).reshape(1, 1), w0.astype(jnp.float32).reshape(1, 1))

    return o.reshape(3, NPAD).T[:N_NODES]

# --- scband reference (transcript-rebuilt; emitter-appended) ---
"""Pipeline reference for scband-interaction-module-10599979287287 (READ-ONLY COPY).

The authoritative reference and input builder live on the scoring server;
editing this copy changes nothing except your own understanding.
"""

import jax, jax.numpy as jnp
import numpy as np

N_NODES = 100000
N_EDGES = 6400000


def setup_inputs(seed: int = 0) -> dict:
    key = jax.random.key(seed)
    k1, k2 = jax.random.split(key)
    theta = jax.random.uniform(k1, (N_NODES, 1), dtype=jnp.float32) * (2.0 * np.pi)
    edge_index = jax.random.randint(k2, (2, N_EDGES), 0, N_NODES, dtype=jnp.int32)
    # learned scalar parameters from __init__
    v0 = jnp.asarray(1.0, dtype=jnp.float32)
    w0 = jnp.asarray(0.5, dtype=jnp.float32)
    return {"theta": theta, "edge_index": edge_index, "v0": v0, "w0": w0}


def reference(theta, edge_index, v0, w0):
    # Faithful translation of interactionModule.f (DGL update_all with
    # calc_message + aggregate_message) plus the velocity assignment.
    d = 1
    src = edge_index[0]
    dst = edge_index[1]
    num_nodes = theta.shape[0]

    # g.ndata['v'] = v0 * cat(cos(theta), sin(theta))
    v = v0 * jnp.concatenate([jnp.cos(theta), jnp.sin(theta)], axis=-1)

    # calc_message: dtheta = (theta_src - theta_dst) * d; m = cat(cos, sin)
    dtheta = (theta[src] - theta[dst]) * d  # [E, 1]
    msg = jnp.concatenate([jnp.cos(dtheta), jnp.sin(dtheta)], axis=-1)  # [E, 2]

    # aggregate_message: mean over mailbox (mean over incoming edges per dst)
    msum = jax.ops.segment_sum(msg, dst, num_segments=num_nodes)  # [N, 2]
    deg = jax.ops.segment_sum(jnp.ones((dst.shape[0],), dtype=msg.dtype), dst, num_segments=num_nodes)  # [N]
    mean_cs = msum / jnp.maximum(deg, 1.0)[:, None]

    # w = w0 * F.normalize(mean_cs, dim=-1)[..., 1:2]
    norm = jnp.linalg.norm(mean_cs, axis=-1, keepdims=True)
    unit = mean_cs / jnp.maximum(norm, 1e-12)
    torque = w0 * unit[..., 1:2]  # [N, 1]

    # return node data (velocity [N,2] and torque [N,1]) concatenated
    return jnp.concatenate([v, torque], axis=-1)  # [N, 3]

if __name__ == "__main__":
    import jax
    _d = setup_inputs()
    print(jax.jit(kernel)(*tuple(_d.values())))

</pallas_src>

<mosaic_0001>
#map = affine_map<(d0, d1) -> (0)>
#map1 = affine_map<(d0, d1) -> (0, 0)>
module attributes {stable_mosaic.version = 14 : i64} {
  func.func @_sc_body(%arg0: i32, %arg1: i32, %arg2: memref<100096xi32, #tpu.memory_space<hbm>>, %arg3: memref<2x6400000xi32, #tpu.memory_space<hbm>>, %arg4: memref<400384xf32, #tpu.memory_space<hbm>>, %arg5: memref<9088xi32, #tpu.memory_space<vmem>>, %arg6: memref<9088xi32, #tpu.memory_space<vmem>>, %arg7: memref<9088xi32, #tpu.memory_space<vmem>>, %arg8: memref<9088xi32, #tpu.memory_space<vmem>>, %arg9: memref<9088xi32, #tpu.memory_space<vmem>>, %arg10: memref<9088xi32, #tpu.memory_space<vmem>>, %arg11: memref<9088xf32, #tpu.memory_space<vmem>>, %arg12: memref<9088xf32, #tpu.memory_space<vmem>>, %arg13: memref<9088xf32, #tpu.memory_space<vmem>>, %arg14: memref<9088xf32, #tpu.memory_space<vmem>>, %arg15: memref<128xi32, #tpu.memory_space<vmem>>, %arg16: memref<128xi32, #tpu.memory_space<vmem>>, %arg17: memref<128xi32, #tpu.memory_space<vmem>>, %arg18: memref<128xf32, #tpu.memory_space<vmem>>, %arg19: memref<128xf32, #tpu.memory_space<vmem>>, %arg20: memref<6256xf32, #tpu.memory_space<vmem>>, %arg21: memref<100096xi32, #tpu.memory_space<vmem_shared>>, %arg22: memref<100096xf32, #tpu.memory_space<vmem_shared>>, %arg23: memref<100096xf32, #tpu.memory_space<vmem_shared>>, %arg24: memref<!tpu.dma_semaphore, #tpu.memory_space<semaphore_mem>>, %arg25: memref<!tpu.dma_semaphore, #tpu.memory_space<semaphore_mem>>) attributes {dimension_semantics = [#tpu.dimension_semantics<core_parallel>, #tpu.dimension_semantics<subcore_parallel>], iteration_bounds = array<i64: 2, 16>, scalar_prefetch = 0 : i64, scratch_operands = 21 : i64, tpu.core_type = #tpu.core_type<sc_vector_subcore>, window_params = [{transform_indices = #map}, {transform_indices = #map1}, {transform_indices = #map}]} {
    %mul3A = arith.constant 16 : i32
    %mul3A_0 = arith.muli %arg0, %mul3A : i32
    %add3A = arith.addi %mul3A_0, %arg1 : i32
    %mul3A_1 = arith.constant 6256 : i32
    %mul3A_2 = arith.muli %arg1, %mul3A_1 : i32
    %broadcast_in_dim3A = arith.constant 0.000000e+00 : f32
    %broadcast_in_dim3A_3 = vector.broadcast %broadcast_in_dim3A : f32 to vector<16xf32>
    %scan3A = arith.constant 0 : i32
    %scan3A_4 = arith.constant 0 : i32
    %scan3A_5 = arith.constant 391 : i32
    %scan3A_6 = arith.addi %scan3A_4, %scan3A_5 : i32
    %scan3A_7 = arith.constant 1 : i32
    scf.for %scan3A_49 = %scan3A_4 to %scan3A_6 step %scan3A_7  : i32 {
      %mul3A_50 = arith.constant 16 : i32
      %mul3A_51 = arith.muli %scan3A_49, %mul3A_50 : i32
      %swap3A = arith.index_cast %mul3A_51 : i32 to index
      %swap3A_52 = tpu.vector_load %arg20[%swap3A] {strides = array<i32>} : memref<6256xf32, #tpu.memory_space<vmem>>, vector<16xf32>,
      tpu.vector_store %arg20[%swap3A], %broadcast_in_dim3A_3 {strides = array<i32>} : memref<6256xf32, #tpu.memory_space<vmem>>, vector<16xf32>,
    }
    %scan3A_8 = arith.constant 391 : i32
    "tpu.region"() ({
      %run_scoped3A_49 = tpu.sem_alloc : memref<!tpu.dma_semaphore, #tpu.memory_space<semaphore_mem>>
      %dma_start3A_50 = tpu.memref_slice %arg22[%mul3A_2] : memref<100096xf32, #tpu.memory_space<vmem_shared>> -> memref<6256xf32, #tpu.memory_space<vmem_shared>>
      %dma_start3A_51 = tpu.memref_slice %arg22[%mul3A_2] : memref<100096xf32, #tpu.memory_space<vmem_shared>> -> memref<6256xf32, #tpu.memory_space<vmem_shared>>
      tpu.enqueue_dma source(%arg20 : memref<6256xf32, #tpu.memory_space<vmem>>) target(%dma_start3A_51 : memref<6256xf32, #tpu.memory_space<vmem_shared>>) target_semaphore(%run_scoped3A_49 : memref<!tpu.dma_semaphore, #tpu.memory_space<semaphore_mem>>)
      %dma_wait3A_52 = tpu.memref_slice %arg22[%mul3A_2] : memref<100096xf32, #tpu.memory_space<vmem_shared>> -> memref<6256xf32, #tpu.memory_space<vmem_shared>>
      %dma_wait3A_53 = tpu.memref_slice %arg22[%mul3A_2] : memref<100096xf32, #tpu.memory_space<vmem_shared>> -> memref<6256xf32, #tpu.memory_space<vmem_shared>>
      tpu.wait_dma2 semaphore(%run_scoped3A_49 : memref<!tpu.dma_semaphore, #tpu.memory_space<semaphore_mem>>) src(%arg20 : memref<6256xf32, #tpu.memory_space<vmem>>) dst(%dma_wait3A_53 : memref<6256xf32, #tpu.memory_space<vmem_shared>>)
      tpu.yield
    }) : () -> ()
    "tpu.region"() ({
      %run_scoped3A_49 = tpu.sem_alloc : memref<!tpu.dma_semaphore, #tpu.memory_space<semaphore_mem>>
      %dma_start3A_50 = tpu.memref_slice %arg23[%mul3A_2] : memref<100096xf32, #tpu.memory_space<vmem_shared>> -> memref<6256xf32, #tpu.memory_space<vmem_shared>>
      %dma_start3A_51 = tpu.memref_slice %arg23[%mul3A_2] : memref<100096xf32, #tpu.memory_space<vmem_shared>> -> memref<6256xf32, #tpu.memory_space<vmem_shared>>
      tpu.enqueue_dma source(%arg20 : memref<6256xf32, #tpu.memory_space<vmem>>) target(%dma_start3A_51 : memref<6256xf32, #tpu.memory_space<vmem_shared>>) target_semaphore(%run_scoped3A_49 : memref<!tpu.dma_semaphore, #tpu.memory_space<semaphore_mem>>)
      %dma_wait3A_52 = tpu.memref_slice %arg23[%mul3A_2] : memref<100096xf32, #tpu.memory_space<vmem_shared>> -> memref<6256xf32, #tpu.memory_space<vmem_shared>>
      %dma_wait3A_53 = tpu.memref_slice %arg23[%mul3A_2] : memref<100096xf32, #tpu.memory_space<vmem_shared>> -> memref<6256xf32, #tpu.memory_space<vmem_shared>>
      tpu.wait_dma2 semaphore(%run_scoped3A_49 : memref<!tpu.dma_semaphore, #tpu.memory_space<semaphore_mem>>) src(%arg20 : memref<6256xf32, #tpu.memory_space<vmem>>) dst(%dma_wait3A_53 : memref<6256xf32, #tpu.memory_space<vmem_shared>>)
      tpu.yield
    }) : () -> ()
    "tpu.region"() ({
      %run_scoped3A_49 = tpu.sem_alloc : memref<!tpu.dma_semaphore, #tpu.memory_space<semaphore_mem>>
      %dma_start3A_50 = arith.constant 0 : i32
      %dma_start3A_51 = tpu.memref_slice %arg9[%dma_start3A_50] : memref<9088xi32, #tpu.memory_space<vmem>> -> memref<6256xi32, #tpu.memory_space<vmem>>
      %dma_start3A_52 = tpu.memref_slice %arg2[%mul3A_2] : memref<100096xi32, #tpu.memory_space<hbm>> -> memref<6256xi32, #tpu.memory_space<hbm>>
      %dma_start3A_53 = arith.constant 0 : i32
      %dma_start3A_54 = tpu.memref_slice %arg9[%dma_start3A_53] : memref<9088xi32, #tpu.memory_space<vmem>> -> memref<6256xi32, #tpu.memory_space<vmem>>
      %dma_start3A_55 = tpu.memref_slice %arg2[%mul3A_2] : memref<100096xi32, #tpu.memory_space<hbm>> -> memref<6256xi32, #tpu.memory_space<hbm>>
      tpu.enqueue_dma source(%dma_start3A_55 : memref<6256xi32, #tpu.memory_space<hbm>>) target(%dma_start3A_54 : memref<6256xi32, #tpu.memory_space<vmem>>) target_semaphore(%run_scoped3A_49 : memref<!tpu.dma_semaphore, #tpu.memory_space<semaphore_mem>>)
      %dma_wait3A_56 = arith.constant 0 : i32
      %dma_wait3A_57 = tpu.memref_slice %arg9[%dma_wait3A_56] : memref<9088xi32, #tpu.memory_space<vmem>> -> memref<6256xi32, #tpu.memory_space<vmem>>
      %dma_wait3A_58 = tpu.memref_slice %arg2[%mul3A_2] : memref<100096xi32, #tpu.memory_space<hbm>> -> memref<6256xi32, #tpu.memory_space<hbm>>
      %dma_wait3A_59 = arith.constant 0 : i32
      %dma_wait3A_60 = tpu.memref_slice %arg9[%dma_wait3A_59] : memref<9088xi32, #tpu.memory_space<vmem>> -> memref<6256xi32, #tpu.memory_space<vmem>>
      %dma_wait3A_61 = tpu.memref_slice %arg2[%mul3A_2] : memref<100096xi32, #tpu.memory_space<hbm>> -> memref<6256xi32, #tpu.memory_space<hbm>>
      tpu.wait_dma2 semaphore(%run_scoped3A_49 : memref<!tpu.dma_semaphore, #tpu.memory_space<semaphore_mem>>) src(%dma_wait3A_61 : memref<6256xi32, #tpu.memory_space<hbm>>) dst(%dma_wait3A_60 : memref<6256xi32, #tpu.memory_space<vmem>>)
      tpu.yield
    }) : () -> ()
    "tpu.region"() ({
      %run_scoped3A_49 = tpu.sem_alloc : memref<!tpu.dma_semaphore, #tpu.memory_space<semaphore_mem>>
      %dma_start3A_50 = arith.constant 0 : i32
      %dma_start3A_51 = tpu.memref_slice %arg9[%dma_start3A_50] : memref<9088xi32, #tpu.memory_space<vmem>> -> memref<6256xi32, #tpu.memory_space<vmem>>
      %dma_start3A_52 = tpu.memref_slice %arg21[%mul3A_2] : memref<100096xi32, #tpu.memory_space<vmem_shared>> -> memref<6256xi32, #tpu.memory_space<vmem_shared>>
      %dma_start3A_53 = tpu.memref_slice %arg21[%mul3A_2] : memref<100096xi32, #tpu.memory_space<vmem_shared>> -> memref<6256xi32, #tpu.memory_space<vmem_shared>>
      %dma_start3A_54 = arith.constant 0 : i32
      %dma_start3A_55 = tpu.memref_slice %arg9[%dma_start3A_54] : memref<9088xi32, #tpu.memory_space<vmem>> -> memref<6256xi32, #tpu.memory_space<vmem>>
      tpu.enqueue_dma source(%dma_start3A_55 : memref<6256xi32, #tpu.memory_space<vmem>>) target(%dma_start3A_53 : memref<6256xi32, #tpu.memory_space<vmem_shared>>) target_semaphore(%run_scoped3A_49 : memref<!tpu.dma_semaphore, #tpu.memory_space<semaphore_mem>>)
      %dma_wait3A_56 = arith.constant 0 : i32
      %dma_wait3A_57 = tpu.memref_slice %arg9[%dma_wait3A_56] : memref<9088xi32, #tpu.memory_space<vmem>> -> memref<6256xi32, #tpu.memory_space<vmem>>
      %dma_wait3A_58 = tpu.memref_slice %arg21[%mul3A_2] : memref<100096xi32, #tpu.memory_space<vmem_shared>> -> memref<6256xi32, #tpu.memory_space<vmem_shared>>
      %dma_wait3A_59 = tpu.memref_slice %arg21[%mul3A_2] : memref<100096xi32, #tpu.memory_space<vmem_shared>> -> memref<6256xi32, #tpu.memory_space<vmem_shared>>
      %dma_wait3A_60 = arith.constant 0 : i32
      %dma_wait3A_61 = tpu.memref_slice %arg9[%dma_wait3A_60] : memref<9088xi32, #tpu.memory_space<vmem>> -> memref<6256xi32, #tpu.memory_space<vmem>>
      tpu.wait_dma2 semaphore(%run_scoped3A_49 : memref<!tpu.dma_semaphore, #tpu.memory_space<semaphore_mem>>) src(%dma_wait3A_61 : memref<6256xi32, #tpu.memory_space<vmem>>) dst(%dma_wait3A_59 : memref<6256xi32, #tpu.memory_space<vmem_shared>>)
      tpu.yield
    }) : () -> ()
    %barrier3A = arith.constant 0 : index
    tpu.barrier barrier_id(%barrier3A)
    %mul3A_9 = arith.constant 1562 : i32
    %mul3A_10 = arith.muli %add3A, %mul3A_9 : i32
    %min3A = arith.constant 16 : i32
    %min3A_11 = arith.minsi %add3A, %min3A : i32
    %add3A_12 = arith.addi %mul3A_10, %min3A_11 : i32
    %lt3A = arith.constant 16 : i32
    %lt3A_13 = arith.cmpi slt, %add3A, %lt3A : i32
    %jit3A = arith.constant 1 : i32
    %jit3A_14 = arith.constant 0 : i32
    %select_n3A = arith.select %lt3A_13, %jit3A, %jit3A_14 : i32
    %add3A_15 = arith.constant 1562 : i32
    %add3A_16 = arith.addi %add3A_15, %select_n3A : i32
    %mul3A_17 = arith.constant 128 : i32
    %mul3A_18 = arith.muli %add3A_12, %mul3A_17 : i32
    %run_scoped3A = arith.constant 0 : i32
    "tpu.region"() ({
      %run_scoped3A_49 = tpu.sem_alloc : memref<!tpu.dma_semaphore, #tpu.memory_space<semaphore_mem>>
      %dma_start3A_50 = tpu.memref_slice %arg3[%run_scoped3A, %mul3A_18] : memref<2x6400000xi32, #tpu.memory_space<hbm>> -> memref<1x9088xi32, #tpu.memory_space<hbm>>
      %dma_start3A_51 = tpu.memref_squeeze %dma_start3A_50 : memref<1x9088xi32, #tpu.memory_space<hbm>> -> memref<9088xi32, #tpu.memory_space<hbm>>
      %dma_start3A_52 = tpu.memref_slice %arg3[%run_scoped3A, %mul3A_18] : memref<2x6400000xi32, #tpu.memory_space<hbm>> -> memref<1x9088xi32, #tpu.memory_space<hbm>>
      %dma_start3A_53 = tpu.memref_squeeze %dma_start3A_52 : memref<1x9088xi32, #tpu.memory_space<hbm>> -> memref<9088xi32, #tpu.memory_space<hbm>>
      tpu.enqueue_dma source(%dma_start3A_53 : memref<9088xi32, #tpu.memory_space<hbm>>) target(%arg5 : memref<9088xi32, #tpu.memory_space<vmem>>) target_semaphore(%run_scoped3A_49 : memref<!tpu.dma_semaphore, #tpu.memory_space<semaphore_mem>>)
      %dma_wait3A_54 = tpu.memref_slice %arg3[%run_scoped3A, %mul3A_18] : memref<2x6400000xi32, #tpu.memory_space<hbm>> -> memref<1x9088xi32, #tpu.memory_space<hbm>>
      %dma_wait3A_55 = tpu.memref_squeeze %dma_wait3A_54 : memref<1x9088xi32, #tpu.memory_space<hbm>> -> memref<9088xi32, #tpu.memory_space<hbm>>
      %dma_wait3A_56 = tpu.memref_slice %arg3[%run_scoped3A, %mul3A_18] : memref<2x6400000xi32, #tpu.memory_space<hbm>> -> memref<1x9088xi32, #tpu.memory_space<hbm>>
      %dma_wait3A_57 = tpu.memref_squeeze %dma_wait3A_56 : memref<1x9088xi32, #tpu.memory_space<hbm>> -> memref<9088xi32, #tpu.memory_space<hbm>>
      tpu.wait_dma2 semaphore(%run_scoped3A_49 : memref<!tpu.dma_semaphore, #tpu.memory_space<semaphore_mem>>) src(%dma_wait3A_57 : memref<9088xi32, #tpu.memory_space<hbm>>) dst(%arg5 : memref<9088xi32, #tpu.memory_space<vmem>>)
      tpu.yield
    }) : () -> ()
    %run_scoped3A_19 = arith.constant 1 : i32
    "tpu.region"() ({
      %run_scoped3A_49 = tpu.sem_alloc : memref<!tpu.dma_semaphore, #tpu.memory_space<semaphore_mem>>
      %dma_start3A_50 = tpu.memref_slice %arg3[%run_scoped3A_19, %mul3A_18] : memref<2x6400000xi32, #tpu.memory_space<hbm>> -> memref<1x9088xi32, #tpu.memory_space<hbm>>
      %dma_start3A_51 = tpu.memref_squeeze %dma_start3A_50 : memref<1x9088xi32, #tpu.memory_space<hbm>> -> memref<9088xi32, #tpu.memory_space<hbm>>
      %dma_start3A_52 = tpu.memref_slice %arg3[%run_scoped3A_19, %mul3A_18] : memref<2x6400000xi32, #tpu.memory_space<hbm>> -> memref<1x9088xi32, #tpu.memory_space<hbm>>
      %dma_start3A_53 = tpu.memref_squeeze %dma_start3A_52 : memref<1x9088xi32, #tpu.memory_space<hbm>> -> memref<9088xi32, #tpu.memory_space<hbm>>
      tpu.enqueue_dma source(%dma_start3A_53 : memref<9088xi32, #tpu.memory_space<hbm>>) target(%arg7 : memref<9088xi32, #tpu.memory_space<vmem>>) target_semaphore(%run_scoped3A_49 : memref<!tpu.dma_semaphore, #tpu.memory_space<semaphore_mem>>)
      %dma_wait3A_54 = tpu.memref_slice %arg3[%run_scoped3A_19, %mul3A_18] : memref<2x6400000xi32, #tpu.memory_space<hbm>> -> memref<1x9088xi32, #tpu.memory_space<hbm>>
      %dma_wait3A_55 = tpu.memref_squeeze %dma_wait3A_54 : memref<1x9088xi32, #tpu.memory_space<hbm>> -> memref<9088xi32, #tpu.memory_space<hbm>>
      %dma_wait3A_56 = tpu.memref_slice %arg3[%run_scoped3A_19, %mul3A_18] : memref<2x6400000xi32, #tpu.memory_space<hbm>> -> memref<1x9088xi32, #tpu.memory_space<hbm>>
      %dma_wait3A_57 = tpu.memref_squeeze %dma_wait3A_56 : memref<1x9088xi32, #tpu.memory_space<hbm>> -> memref<9088xi32, #tpu.memory_space<hbm>>
      tpu.wait_dma2 semaphore(%run_scoped3A_49 : memref<!tpu.dma_semaphore, #tpu.memory_space<semaphore_mem>>) src(%dma_wait3A_57 : memref<9088xi32, #tpu.memory_space<hbm>>) dst(%arg7 : memref<9088xi32, #tpu.memory_space<vmem>>)
      tpu.yield
    }) : () -> ()
    %dma_start3A = arith.constant 0 : i32
    %dma_start3A_20 = tpu.memref_slice %arg21[%dma_start3A] : memref<100096xi32, #tpu.memory_space<vmem_shared>> -> memref<100096xi32, #tpu.memory_space<vmem_shared>>
    tpu.enqueue_indirect_dma source(%dma_start3A_20 : memref<100096xi32, #tpu.memory_space<vmem_shared>>) target(%arg9 : memref<9088xi32, #tpu.memory_space<vmem>>) offsets(%arg5 : memref<9088xi32, #tpu.memory_space<vmem>>) semaphore(%arg24 : memref<!tpu.dma_semaphore, #tpu.memory_space<semaphore_mem>>)
    %scan3A_21 = arith.constant 0 : i32
    %scan3A_22 = arith.constant 0 : i32
    %scan3A_23 = arith.constant 11 : i32
    %scan3A_24 = arith.addi %scan3A_22, %scan3A_23 : i32
    %scan3A_25 = arith.constant 1 : i32
    scf.for %scan3A_49 = %scan3A_22 to %scan3A_24 step %scan3A_25  : i32 {
      %mul3A_50 = arith.constant 2 : i32
      %mul3A_51 = arith.muli %mul3A_50, %scan3A_49 : i32
      %add3A_52 = arith.constant 0 : i32
      %add3A_53 = arith.addi %mul3A_51, %add3A_52 : i32
      %add3A_54 = arith.constant 1 : i32
      %add3A_55 = arith.addi %add3A_53, %add3A_54 : i32
      %lt3A_56 = arith.constant 22 : i32
      %lt3A_57 = arith.cmpi slt, %add3A_55, %lt3A_56 : i32
      %convert_element_type3A = arith.extui %lt3A_57 : i1 to i32
      %cond3A = arith.constant 0 : i32
      %cond3A_58 = arith.cmpi ne, %convert_element_type3A, %cond3A : i32
      scf.if %cond3A_58 {
        %add3A_139 = arith.constant 1 : i32
        %add3A_140 = arith.addi %add3A_53, %add3A_139 : i32
        %mul3A_141 = arith.constant 9088 : i32
        %mul3A_142 = arith.muli %add3A_140, %mul3A_141 : i32
        %add3A_143 = arith.addi %mul3A_18, %mul3A_142 : i32
        %run_scoped3A_144 = arith.constant 0 : i32
        "tpu.region"() ({
          %run_scoped3A_145 = tpu.sem_alloc : memref<!tpu.dma_semaphore, #tpu.memory_space<semaphore_mem>>
          %dma_start3A_146 = tpu.memref_slice %arg3[%run_scoped3A_144, %add3A_143] : memref<2x6400000xi32, #tpu.memory_space<hbm>> -> memref<1x9088xi32, #tpu.memory_space<hbm>>
          %dma_start3A_147 = tpu.memref_squeeze %dma_start3A_146 : memref<1x9088xi32, #tpu.memory_space<hbm>> -> memref<9088xi32, #tpu.memory_space<hbm>>
          %dma_start3A_148 = tpu.memref_slice %arg3[%run_scoped3A_144, %add3A_143] : memref<2x6400000xi32, #tpu.memory_space<hbm>> -> memref<1x9088xi32, #tpu.memory_space<hbm>>
          %dma_start3A_149 = tpu.memref_squeeze %dma_start3A_148 : memref<1x9088xi32, #tpu.memory_space<hbm>> -> memref<9088xi32, #tpu.memory_space<hbm>>
          tpu.enqueue_dma source(%dma_start3A_149 : memref<9088xi32, #tpu.memory_space<hbm>>) target(%arg6 : memref<9088xi32, #tpu.memory_space<vmem>>) target_semaphore(%run_scoped3A_145 : memref<!tpu.dma_semaphore, #tpu.memory_space<semaphore_mem>>)
          %dma_wait3A_150 = tpu.memref_slice %arg3[%run_scoped3A_144, %add3A_143] : memref<2x6400000xi32, #tpu.memory_space<hbm>> -> memref<1x9088xi32, #tpu.memory_space<hbm>>
          %dma_wait3A_151 = tpu.memref_squeeze %dma_wait3A_150 : memref<1x9088xi32, #tpu.memory_space<hbm>> -> memref<9088xi32, #tpu.memory_space<hbm>>
          %dma_wait3A_152 = tpu.memref_slice %arg3[%run_scoped3A_144, %add3A_143] : memref<2x6400000xi32, #tpu.memory_space<hbm>> -> memref<1x9088xi32, #tpu.memory_space<hbm>>
          %dma_wait3A_153 = tpu.memref_squeeze %dma_wait3A_152 : memref<1x9088xi32, #tpu.memory_space<hbm>> -> memref<9088xi32, #tpu.memory_space<hbm>>
          tpu.wait_dma2 semaphore(%run_scoped3A_145 : memref<!tpu.dma_semaphore, #tpu.memory_space<semaphore_mem>>) src(%dma_wait3A_153 : memref<9088xi32, #tpu.memory_space<hbm>>) dst(%arg6 : memref<9088xi32, #tpu.memory_space<vmem>>)
          tpu.yield
        }) : () -> ()
      } else {
      }
      %dma_wait3A_59 = arith.constant 0 : i32
      %dma_wait3A_60 = tpu.memref_slice %arg21[%dma_wait3A_59] : memref<100096xi32, #tpu.memory_space<vmem_shared>> -> memref<100096xi32, #tpu.memory_space<vmem_shared>>
      tpu.wait_indirect_dma semaphore(%arg24 : memref<!tpu.dma_semaphore, #tpu.memory_space<semaphore_mem>>) src(%dma_wait3A_60 : memref<100096xi32, #tpu.memory_space<vmem_shared>>) dst(%arg9 : memref<9088xi32, #tpu.memory_space<vmem>>)
      %add3A_61 = arith.constant 1 : i32
      %add3A_62 = arith.addi %add3A_53, %add3A_61 : i32
      %lt3A_63 = arith.constant 22 : i32
      %lt3A_64 = arith.cmpi slt, %add3A_62, %lt3A_63 : i32
      %convert_element_type3A_65 = arith.extui %lt3A_64 : i1 to i32
      %cond3A_66 = arith.constant 0 : i32
      %cond3A_67 = arith.cmpi ne, %convert_element_type3A_65, %cond3A_66 : i32
      scf.if %cond3A_67 {
        %dma_start3A_139 = arith.constant 0 : i32
        %dma_start3A_140 = tpu.memref_slice %arg21[%dma_start3A_139] : memref<100096xi32, #tpu.memory_space<vmem_shared>> -> memref<100096xi32, #tpu.memory_space<vmem_shared>>
        tpu.enqueue_indirect_dma source(%dma_start3A_140 : memref<100096xi32, #tpu.memory_space<vmem_shared>>) target(%arg10 : memref<9088xi32, #tpu.memory_space<vmem>>) offsets(%arg6 : memref<9088xi32, #tpu.memory_space<vmem>>) semaphore(%arg24 : memref<!tpu.dma_semaphore, #tpu.memory_space<semaphore_mem>>)
      } else {
      }
      %broadcast_in_dim3A_68 = arith.constant 16 : i32
      %broadcast_in_dim3A_69 = vector.broadcast %broadcast_in_dim3A_68 : i32 to vector<16xi32>
      %broadcast_in_dim3A_70 = arith.constant 6.10351563E-5 : f32
      %broadcast_in_dim3A_71 = vector.broadcast %broadcast_in_dim3A_70 : f32 to vector<16xf32>
      %scan3A_72 = arith.constant 0 : i32
      %scan3A_73 = arith.constant 0 : i32
      %scan3A_74 = arith.constant 142 : i32
      %scan3A_75 = arith.addi %scan3A_73, %scan3A_74 : i32
      %scan3A_76 = arith.constant 1 : i32
      scf.for %scan3A_139 = %scan3A_73 to %scan3A_75 step %scan3A_76  : i32 {
        %mul3A_140 = arith.constant 64 : i32
        %mul3A_141 = arith.muli %scan3A_139, %mul3A_140 : i32
        %add3A_142 = arith.constant 0 : i32
        %add3A_143 = arith.addi %mul3A_141, %add3A_142 : i32
        %get3A = arith.index_cast %add3A_143 : i32 to index
        %get3A_144 = tpu.vector_load %arg9[%get3A] {strides = array<i32>} : memref<9088xi32, #tpu.memory_space<vmem>>, vector<16xi32>,
        %shift_right_arithmetic3A = arith.shrsi %get3A_144, %broadcast_in_dim3A_69 : vector<16xi32>
        %shift_left3A = arith.shli %get3A_144, %broadcast_in_dim3A_69 : vector<16xi32>
        %shift_right_arithmetic3A_145 = arith.shrsi %shift_left3A, %broadcast_in_dim3A_69 : vector<16xi32>
        %convert_element_type3A_146 = arith.sitofp %shift_right_arithmetic3A : vector<16xi32> to vector<16xf32>
        %mul3A_147 = arith.mulf %convert_element_type3A_146, %broadcast_in_dim3A_71 : vector<16xf32>
        %add3A_148 = arith.constant 0 : i32
        %add3A_149 = arith.addi %mul3A_141, %add3A_148 : i32
        %swap3A = arith.index_cast %add3A_149 : i32 to index
        %swap3A_150 = tpu.vector_load %arg11[%swap3A] {strides = array<i32>} : memref<9088xf32, #tpu.memory_space<vmem>>, vector<16xf32>,
        tpu.vector_store %arg11[%swap3A], %mul3A_147 {strides = array<i32>} : memref<9088xf32, #tpu.memory_space<vmem>>, vector<16xf32>,
        %convert_element_type3A_151 = arith.sitofp %shift_right_arithmetic3A_145 : vector<16xi32> to vector<16xf32>
        %mul3A_152 = arith.mulf %convert_element_type3A_151, %broadcast_in_dim3A_71 : vector<16xf32>
        %add3A_153 = arith.constant 0 : i32
        %add3A_154 = arith.addi %mul3A_141, %add3A_153 : i32
        %swap3A_155 = arith.index_cast %add3A_154 : i32 to index
        %swap3A_156 = tpu.vector_load %arg13[%swap3A_155] {strides = array<i32>} : memref<9088xf32, #tpu.memory_space<vmem>>, vector<16xf32>,
        tpu.vector_store %arg13[%swap3A_155], %mul3A_152 {strides = array<i32>} : memref<9088xf32, #tpu.memory_space<vmem>>, vector<16xf32>,
        %add3A_157 = arith.constant 16 : i32
        %add3A_158 = arith.addi %mul3A_141, %add3A_157 : i32
        %get3A_159 = arith.index_cast %add3A_158 : i32 to index
        %get3A_160 = tpu.vector_load %arg9[%get3A_159] {strides = array<i32>} : memref<9088xi32, #tpu.memory_space<vmem>>, vector<16xi32>,
        %shift_right_arithmetic3A_161 = arith.shrsi %get3A_160, %broadcast_in_dim3A_69 : vector<16xi32>
        %shift_left3A_162 = arith.shli %get3A_160, %broadcast_in_dim3A_69 : vector<16xi32>
        %shift_right_arithmetic3A_163 = arith.shrsi %shift_left3A_162, %broadcast_in_dim3A_69 : vector<16xi32>
        %convert_element_type3A_164 = arith.sitofp %shift_right_arithmetic3A_161 : vector<16xi32> to vector<16xf32>
        %mul3A_165 = arith.mulf %convert_element_type3A_164, %broadcast_in_dim3A_71 : vector<16xf32>
        %add3A_166 = arith.constant 16 : i32
        %add3A_167 = arith.addi %mul3A_141, %add3A_166 : i32
        %swap3A_168 = arith.index_cast %add3A_167 : i32 to index
        %swap3A_169 = tpu.vector_load %arg11[%swap3A_168] {strides = array<i32>} : memref<9088xf32, #tpu.memory_space<vmem>>, vector<16xf32>,
        tpu.vector_store %arg11[%swap3A_168], %mul3A_165 {strides = array<i32>} : memref<9088xf32, #tpu.memory_space<vmem>>, vector<16xf32>,
        %convert_element_type3A_170 = arith.sitofp %shift_right_arithmetic3A_163 : vector<16xi32> to vector<16xf32>
        %mul3A_171 = arith.mulf %convert_element_type3A_170, %broadcast_in_dim3A_71 : vector<16xf32>
        %add3A_172 = arith.constant 16 : i32
        %add3A_173 = arith.addi %mul3A_141, %add3A_172 : i32
        %swap3A_174 = arith.index_cast %add3A_173 : i32 to index
        %swap3A_175 = tpu.vector_load %arg13[%swap3A_174] {strides = array<i32>} : memref<9088xf32, #tpu.memory_space<vmem>>, vector<16xf32>,
        tpu.vector_store %arg13[%swap3A_174], %mul3A_171 {strides = array<i32>} : memref<9088xf32, #tpu.memory_space<vmem>>, vector<16xf32>,
        %add3A_176 = arith.constant 32 : i32
        %add3A_177 = arith.addi %mul3A_141, %add3A_176 : i32
        %get3A_178 = arith.index_cast %add3A_177 : i32 to index
        %get3A_179 = tpu.vector_load %arg9[%get3A_178] {strides = array<i32>} : memref<9088xi32, #tpu.memory_space<vmem>>, vector<16xi32>,
        %shift_right_arithmetic3A_180 = arith.shrsi %get3A_179, %broadcast_in_dim3A_69 : vector<16xi32>
        %shift_left3A_181 = arith.shli %get3A_179, %broadcast_in_dim3A_69 : vector<16xi32>
        %shift_right_arithmetic3A_182 = arith.shrsi %shift_left3A_181, %broadcast_in_dim3A_69 : vector<16xi32>
        %convert_element_type3A_183 = arith.sitofp %shift_right_arithmetic3A_180 : vector<16xi32> to vector<16xf32>
        %mul3A_184 = arith.mulf %convert_element_type3A_183, %broadcast_in_dim3A_71 : vector<16xf32>
        %add3A_185 = arith.constant 32 : i32
        %add3A_186 = arith.addi %mul3A_141, %add3A_185 : i32
        %swap3A_187 = arith.index_cast %add3A_186 : i32 to index
        %swap3A_188 = tpu.vector_load %arg11[%swap3A_187] {strides = array<i32>} : memref<9088xf32, #tpu.memory_space<vmem>>, vector<16xf32>,
        tpu.vector_store %arg11[%swap3A_187], %mul3A_184 {strides = array<i32>} : memref<9088xf32, #tpu.memory_space<vmem>>, vector<16xf32>,
        %convert_element_type3A_189 = arith.sitofp %shift_right_arithmetic3A_182 : vector<16xi32> to vector<16xf32>
        %mul3A_190 = arith.mulf %convert_element_type3A_189, %broadcast_in_dim3A_71 : vector<16xf32>
        %add3A_191 = arith.constant 32 : i32
        %add3A_192 = arith.addi %mul3A_141, %add3A_191 : i32
        %swap3A_193 = arith.index_cast %add3A_192 : i32 to index
        %swap3A_194 = tpu.vector_load %arg13[%swap3A_193] {strides = array<i32>} : memref<9088xf32, #tpu.memory_space<vmem>>, vector<16xf32>,
        tpu.vector_store %arg13[%swap3A_193], %mul3A_190 {strides = array<i32>} : memref<9088xf32, #tpu.memory_space<vmem>>, vector<16xf32>,
        %add3A_195 = arith.constant 48 : i32
        %add3A_196 = arith.addi %mul3A_141, %add3A_195 : i32
        %get3A_197 = arith.index_cast %add3A_196 : i32 to index
        %get3A_198 = tpu.vector_load %arg9[%get3A_197] {strides = array<i32>} : memref<9088xi32, #tpu.memory_space<vmem>>, vector<16xi32>,
        %shift_right_arithmetic3A_199 = arith.shrsi %get3A_198, %broadcast_in_dim3A_69 : vector<16xi32>
        %shift_left3A_200 = arith.shli %get3A_198, %broadcast_in_dim3A_69 : vector<16xi32>
        %shift_right_arithmetic3A_201 = arith.shrsi %shift_left3A_200, %broadcast_in_dim3A_69 : vector<16xi32>
        %convert_element_type3A_202 = arith.sitofp %shift_right_arithmetic3A_199 : vector<16xi32> to vector<16xf32>
        %mul3A_203 = arith.mulf %convert_element_type3A_202, %broadcast_in_dim3A_71 : vector<16xf32>
        %add3A_204 = arith.constant 48 : i32
        %add3A_205 = arith.addi %mul3A_141, %add3A_204 : i32
        %swap3A_206 = arith.index_cast %add3A_205 : i32 to index
        %swap3A_207 = tpu.vector_load %arg11[%swap3A_206] {strides = array<i32>} : memref<9088xf32, #tpu.memory_space<vmem>>, vector<16xf32>,
        tpu.vector_store %arg11[%swap3A_206], %mul3A_203 {strides = array<i32>} : memref<9088xf32, #tpu.memory_space<vmem>>, vector<16xf32>,
        %convert_element_type3A_208 = arith.sitofp %shift_right_arithmetic3A_201 : vector<16xi32> to vector<16xf32>
        %mul3A_209 = arith.mulf %convert_element_type3A_208, %broadcast_in_dim3A_71 : vector<16xf32>
        %add3A_210 = arith.constant 48 : i32
        %add3A_211 = arith.addi %mul3A_141, %add3A_210 : i32
        %swap3A_212 = arith.index_cast %add3A_211 : i32 to index
        %swap3A_213 = tpu.vector_load %arg13[%swap3A_212] {strides = array<i32>} : memref<9088xf32, #tpu.memory_space<vmem>>, vector<16xf32>,
        tpu.vector_store %arg13[%swap3A_212], %mul3A_209 {strides = array<i32>} : memref<9088xf32, #tpu.memory_space<vmem>>, vector<16xf32>,
      }
      %scan3A_77 = arith.constant 142 : i32
      %dma_start3A_78 = arith.constant 0 : i32
      %dma_start3A_79 = tpu.memref_slice %arg22[%dma_start3A_78] : memref<100096xf32, #tpu.memory_space<vmem_shared>> -> memref<100096xf32, #tpu.memory_space<vmem_shared>>
      tpu.enqueue_indirect_dma source(%arg11 : memref<9088xf32, #tpu.memory_space<vmem>>) target(%dma_start3A_79 : memref<100096xf32, #tpu.memory_space<vmem_shared>>) offsets(%arg7 : memref<9088xi32, #tpu.memory_space<vmem>>) semaphore(%arg25 : memref<!tpu.dma_semaphore, #tpu.memory_space<semaphore_mem>>) {add = true}
      %dma_start3A_80 = arith.constant 0 : i32
      %dma_start3A_81 = tpu.memref_slice %arg23[%dma_start3A_80] : memref<100096xf32, #tpu.memory_space<vmem_shared>> -> memref<100096xf32, #tpu.memory_space<vmem_shared>>
      tpu.enqueue_indirect_dma source(%arg13 : memref<9088xf32, #tpu.memory_space<vmem>>) target(%dma_start3A_81 : memref<100096xf32, #tpu.memory_space<vmem_shared>>) offsets(%arg7 : memref<9088xi32, #tpu.memory_space<vmem>>) semaphore(%arg25 : memref<!tpu.dma_semaphore, #tpu.memory_space<semaphore_mem>>) {add = true}
      %ge3A = arith.constant 1 : i32
      %ge3A_82 = arith.cmpi sge, %add3A_53, %ge3A : i32
      %convert_element_type3A_83 = arith.extui %ge3A_82 : i1 to i32
      %cond3A_84 = arith.constant 0 : i32
      %cond3A_85 = arith.cmpi ne, %convert_element_type3A_83, %cond3A_84 : i32
      scf.if %cond3A_85 {
        %dma_wait3A_139 = arith.constant 0 : i32
        %dma_wait3A_140 = tpu.memref_slice %arg22[%dma_wait3A_139] : memref<100096xf32, #tpu.memory_space<vmem_shared>> -> memref<100096xf32, #tpu.memory_space<vmem_shared>>
        tpu.wait_indirect_dma semaphore(%arg25 : memref<!tpu.dma_semaphore, #tpu.memory_space<semaphore_mem>>) src(%arg12 : memref<9088xf32, #tpu.memory_space<vmem>>) dst(%dma_wait3A_140 : memref<100096xf32, #tpu.memory_space<vmem_shared>>)
        %dma_wait3A_141 = arith.constant 0 : i32
        %dma_wait3A_142 = tpu.memref_slice %arg23[%dma_wait3A_141] : memref<100096xf32, #tpu.memory_space<vmem_shared>> -> memref<100096xf32, #tpu.memory_space<vmem_shared>>
        tpu.wait_indirect_dma semaphore(%arg25 : memref<!tpu.dma_semaphore, #tpu.memory_space<semaphore_mem>>) src(%arg14 : memref<9088xf32, #tpu.memory_space<vmem>>) dst(%dma_wait3A_142 : memref<100096xf32, #tpu.memory_space<vmem_shared>>)
      } else {
      }
      %add3A_86 = arith.constant 1 : i32
      %add3A_87 = arith.addi %add3A_53, %add3A_86 : i32
      %lt3A_88 = arith.constant 22 : i32
      %lt3A_89 = arith.cmpi slt, %add3A_87, %lt3A_88 : i32
      %convert_element_type3A_90 = arith.extui %lt3A_89 : i1 to i32
      %cond3A_91 = arith.constant 0 : i32
      %cond3A_92 = arith.cmpi ne, %convert_element_type3A_90, %cond3A_91 : i32
      scf.if %cond3A_92 {
        %add3A_139 = arith.constant 1 : i32
        %add3A_140 = arith.addi %add3A_53, %add3A_139 : i32
        %mul3A_141 = arith.constant 9088 : i32
        %mul3A_142 = arith.muli %add3A_140, %mul3A_141 : i32
        %add3A_143 = arith.addi %mul3A_18, %mul3A_142 : i32
        %run_scoped3A_144 = arith.constant 1 : i32
        "tpu.region"() ({
          %run_scoped3A_145 = tpu.sem_alloc : memref<!tpu.dma_semaphore, #tpu.memory_space<semaphore_mem>>
          %dma_start3A_146 = tpu.memref_slice %arg3[%run_scoped3A_144, %add3A_143] : memref<2x6400000xi32, #tpu.memory_space<hbm>> -> memref<1x9088xi32, #tpu.memory_space<hbm>>
          %dma_start3A_147 = tpu.memref_squeeze %dma_start3A_146 : memref<1x9088xi32, #tpu.memory_space<hbm>> -> memref<9088xi32, #tpu.memory_space<hbm>>
          %dma_start3A_148 = tpu.memref_slice %arg3[%run_scoped3A_144, %add3A_143] : memref<2x6400000xi32, #tpu.memory_space<hbm>> -> memref<1x9088xi32, #tpu.memory_space<hbm>>
          %dma_start3A_149 = tpu.memref_squeeze %dma_start3A_148 : memref<1x9088xi32, #tpu.memory_space<hbm>> -> memref<9088xi32, #tpu.memory_space<hbm>>
          tpu.enqueue_dma source(%dma_start3A_149 : memref<9088xi32, #tpu.memory_space<hbm>>) target(%arg8 : memref<9088xi32, #tpu.memory_space<vmem>>) target_semaphore(%run_scoped3A_145 : memref<!tpu.dma_semaphore, #tpu.memory_space<semaphore_mem>>)
          %dma_wait3A_150 = tpu.memref_slice %arg3[%run_scoped3A_144, %add3A_143] : memref<2x6400000xi32, #tpu.memory_space<hbm>> -> memref<1x9088xi32, #tpu.memory_space<hbm>>
          %dma_wait3A_151 = tpu.memref_squeeze %dma_wait3A_150 : memref<1x9088xi32, #tpu.memory_space<hbm>> -> memref<9088xi32, #tpu.memory_space<hbm>>
          %dma_wait3A_152 = tpu.memref_slice %arg3[%run_scoped3A_144, %add3A_143] : memref<2x6400000xi32, #tpu.memory_space<hbm>> -> memref<1x9088xi32, #tpu.memory_space<hbm>>
          %dma_wait3A_153 = tpu.memref_squeeze %dma_wait3A_152 : memref<1x9088xi32, #tpu.memory_space<hbm>> -> memref<9088xi32, #tpu.memory_space<hbm>>
          tpu.wait_dma2 semaphore(%run_scoped3A_145 : memref<!tpu.dma_semaphore, #tpu.memory_space<semaphore_mem>>) src(%dma_wait3A_153 : memref<9088xi32, #tpu.memory_space<hbm>>) dst(%arg8 : memref<9088xi32, #tpu.memory_space<vmem>>)
          tpu.yield
        }) : () -> ()
      } else {
      }
      %mul3A_93 = arith.constant 2 : i32
      %mul3A_94 = arith.muli %mul3A_93, %scan3A_49 : i32
      %add3A_95 = arith.constant 1 : i32
      %add3A_96 = arith.addi %mul3A_94, %add3A_95 : i32
      %add3A_97 = arith.constant 1 : i32
      %add3A_98 = arith.addi %add3A_96, %add3A_97 : i32
      %lt3A_99 = arith.constant 22 : i32
      %lt3A_100 = arith.cmpi slt, %add3A_98, %lt3A_99 : i32
      %convert_element_type3A_101 = arith.extui %lt3A_100 : i1 to i32
      %cond3A_102 = arith.constant 0 : i32
      %cond3A_103 = arith.cmpi ne, %convert_element_type3A_101, %cond3A_102 : i32
      scf.if %cond3A_103 {
        %add3A_139 = arith.constant 1 : i32
        %add3A_140 = arith.addi %add3A_96, %add3A_139 : i32
        %mul3A_141 = arith.constant 9088 : i32
        %mul3A_142 = arith.muli %add3A_140, %mul3A_141 : i32
        %add3A_143 = arith.addi %mul3A_18, %mul3A_142 : i32
        %run_scoped3A_144 = arith.constant 0 : i32
        "tpu.region"() ({
          %run_scoped3A_145 = tpu.sem_alloc : memref<!tpu.dma_semaphore, #tpu.memory_space<semaphore_mem>>
          %dma_start3A_146 = tpu.memref_slice %arg3[%run_scoped3A_144, %add3A_143] : memref<2x6400000xi32, #tpu.memory_space<hbm>> -> memref<1x9088xi32, #tpu.memory_space<hbm>>
          %dma_start3A_147 = tpu.memref_squeeze %dma_start3A_146 : memref<1x9088xi32, #tpu.memory_space<hbm>> -> memref<9088xi32, #tpu.memory_space<hbm>>
          %dma_start3A_148 = tpu.memref_slice %arg3[%run_scoped3A_144, %add3A_143] : memref<2x6400000xi32, #tpu.memory_space<hbm>> -> memref<1x9088xi32, #tpu.memory_space<hbm>>
          %dma_start3A_149 = tpu.memref_squeeze %dma_start3A_148 : memref<1x9088xi32, #tpu.memory_space<hbm>> -> memref<9088xi32, #tpu.memory_space<hbm>>
          tpu.enqueue_dma source(%dma_start3A_149 : memref<9088xi32, #tpu.memory_space<hbm>>) target(%arg5 : memref<9088xi32, #tpu.memory_space<vmem>>) target_semaphore(%run_scoped3A_145 : memref<!tpu.dma_semaphore, #tpu.memory_space<semaphore_mem>>)
          %dma_wait3A_150 = tpu.memref_slice %arg3[%run_scoped3A_144, %add3A_143] : memref<2x6400000xi32, #tpu.memory_space<hbm>> -> memref<1x9088xi32, #tpu.memory_space<hbm>>
          %dma_wait3A_151 = tpu.memref_squeeze %dma_wait3A_150 : memref<1x9088xi32, #tpu.memory_space<hbm>> -> memref<9088xi32, #tpu.memory_space<hbm>>
          %dma_wait3A_152 = tpu.memref_slice %arg3[%run_scoped3A_144, %add3A_143] : memref<2x6400000xi32, #tpu.memory_space<hbm>> -> memref<1x9088xi32, #tpu.memory_space<hbm>>
          %dma_wait3A_153 = tpu.memref_squeeze %dma_wait3A_152 : memref<1x9088xi32, #tpu.memory_space<hbm>> -> memref<9088xi32, #tpu.memory_space<hbm>>
          tpu.wait_dma2 semaphore(%run_scoped3A_145 : memref<!tpu.dma_semaphore, #tpu.memory_space<semaphore_mem>>) src(%dma_wait3A_153 : memref<9088xi32, #tpu.memory_space<hbm>>) dst(%arg5 : memref<9088xi32, #tpu.memory_space<vmem>>)
          tpu.yield
        }) : () -> ()
      } else {
      }
      %dma_wait3A_104 = arith.constant 0 : i32
      %dma_wait3A_105 = tpu.memref_slice %arg21[%dma_wait3A_104] : memref<100096xi32, #tpu.memory_space<vmem_shared>> -> memref<100096xi32, #tpu.memory_space<vmem_shared>>
      tpu.wait_indirect_dma semaphore(%arg24 : memref<!tpu.dma_semaphore, #tpu.memory_space<semaphore_mem>>) src(%dma_wait3A_105 : memref<100096xi32, #tpu.memory_space<vmem_shared>>) dst(%arg10 : memref<9088xi32, #tpu.memory_space<vmem>>)
      %add3A_106 = arith.constant 1 : i32
      %add3A_107 = arith.addi %add3A_96, %add3A_106 : i32
      %lt3A_108 = arith.constant 22 : i32
      %lt3A_109 = arith.cmpi slt, %add3A_107, %lt3A_108 : i32
      %convert_element_type3A_110 = arith.extui %lt3A_109 : i1 to i32
      %cond3A_111 = arith.constant 0 : i32
      %cond3A_112 = arith.cmpi ne, %convert_element_type3A_110, %cond3A_111 : i32
      scf.if %cond3A_112 {
        %dma_start3A_139 = arith.constant 0 : i32
        %dma_start3A_140 = tpu.memref_slice %arg21[%dma_start3A_139] : memref<100096xi32, #tpu.memory_space<vmem_shared>> -> memref<100096xi32, #tpu.memory_space<vmem_shared>>
        tpu.enqueue_indirect_dma source(%dma_start3A_140 : memref<100096xi32, #tpu.memory_space<vmem_shared>>) target(%arg9 : memref<9088xi32, #tpu.memory_space<vmem>>) offsets(%arg5 : memref<9088xi32, #tpu.memory_space<vmem>>) semaphore(%arg24 : memref<!tpu.dma_semaphore, #tpu.memory_space<semaphore_mem>>)
      } else {
      }
      %broadcast_in_dim3A_113 = arith.constant 16 : i32
      %broadcast_in_dim3A_114 = vector.broadcast %broadcast_in_dim3A_113 : i32 to vector<16xi32>
      %broadcast_in_dim3A_115 = arith.constant 6.10351563E-5 : f32
      %broadcast_in_dim3A_116 = vector.broadcast %broadcast_in_dim3A_115 : f32 to vector<16xf32>
      %scan3A_117 = arith.constant 0 : i32
      %scan3A_118 = arith.constant 0 : i32
      %scan3A_119 = arith.constant 142 : i32
      %scan3A_120 = arith.addi %scan3A_118, %scan3A_119 : i32
      %scan3A_121 = arith.constant 1 : i32
      scf.for %scan3A_139 = %scan3A_118 to %scan3A_120 step %scan3A_121  : i32 {
        %mul3A_140 = arith.constant 64 : i32
        %mul3A_141 = arith.muli %scan3A_139, %mul3A_140 : i32
        %add3A_142 = arith.constant 0 : i32
        %add3A_143 = arith.addi %mul3A_141, %add3A_142 : i32
        %get3A = arith.index_cast %add3A_143 : i32 to index
        %get3A_144 = tpu.vector_load %arg10[%get3A] {strides = array<i32>} : memref<9088xi32, #tpu.memory_space<vmem>>, vector<16xi32>,
        %shift_right_arithmetic3A = arith.shrsi %get3A_144, %broadcast_in_dim3A_114 : vector<16xi32>
        %shift_left3A = arith.shli %get3A_144, %broadcast_in_dim3A_114 : vector<16xi32>
        %shift_right_arithmetic3A_145 = arith.shrsi %shift_left3A, %broadcast_in_dim3A_114 : vector<16xi32>
        %convert_element_type3A_146 = arith.sitofp %shift_right_arithmetic3A : vector<16xi32> to vector<16xf32>
        %mul3A_147 = arith.mulf %convert_element_type3A_146, %broadcast_in_dim3A_116 : vector<16xf32>
        %add3A_148 = arith.constant 0 : i32
        %add3A_149 = arith.addi %mul3A_141, %add3A_148 : i32
        %swap3A = arith.index_cast %add3A_149 : i32 to index
        %swap3A_150 = tpu.vector_load %arg12[%swap3A] {strides = array<i32>} : memref<9088xf32, #tpu.memory_space<vmem>>, vector<16xf32>,
        tpu.vector_store %arg12[%swap3A], %mul3A_147 {strides = array<i32>} : memref<9088xf32, #tpu.memory_space<vmem>>, vector<16xf32>,
        %convert_element_type3A_151 = arith.sitofp %shift_right_arithmetic3A_145 : vector<16xi32> to vector<16xf32>
        %mul3A_152 = arith.mulf %convert_element_type3A_151, %broadcast_in_dim3A_116 : vector<16xf32>
        %add3A_153 = arith.constant 0 : i32
        %add3A_154 = arith.addi %mul3A_141, %add3A_153 : i32
        %swap3A_155 = arith.index_cast %add3A_154 : i32 to index
        %swap3A_156 = tpu.vector_load %arg14[%swap3A_155] {strides = array<i32>} : memref<9088xf32, #tpu.memory_space<vmem>>, vector<16xf32>,
        tpu.vector_store %arg14[%swap3A_155], %mul3A_152 {strides = array<i32>} : memref<9088xf32, #tpu.memory_space<vmem>>, vector<16xf32>,
        %add3A_157 = arith.constant 16 : i32
        %add3A_158 = arith.addi %mul3A_141, %add3A_157 : i32
        %get3A_159 = arith.index_cast %add3A_158 : i32 to index
        %get3A_160 = tpu.vector_load %arg10[%get3A_159] {strides = array<i32>} : memref<9088xi32, #tpu.memory_space<vmem>>, vector<16xi32>,
        %shift_right_arithmetic3A_161 = arith.shrsi %get3A_160, %broadcast_in_dim3A_114 : vector<16xi32>
        %shift_left3A_162 = arith.shli %get3A_160, %broadcast_in_dim3A_114 : vector<16xi32>
        %shift_right_arithmetic3A_163 = arith.shrsi %shift_left3A_162, %broadcast_in_dim3A_114 : vector<16xi32>
        %convert_element_type3A_164 = arith.sitofp %shift_right_arithmetic3A_161 : vector<16xi32> to vector<16xf32>
        %mul3A_165 = arith.mulf %convert_element_type3A_164, %broadcast_in_dim3A_116 : vector<16xf32>
        %add3A_166 = arith.constant 16 : i32
        %add3A_167 = arith.addi %mul3A_141, %add3A_166 : i32
        %swap3A_168 = arith.index_cast %add3A_167 : i32 to index
        %swap3A_169 = tpu.vector_load %arg12[%swap3A_168] {strides = array<i32>} : memref<9088xf32, #tpu.memory_space<vmem>>, vector<16xf32>,
        tpu.vector_store %arg12[%swap3A_168], %mul3A_165 {strides = array<i32>} : memref<9088xf32, #tpu.memory_space<vmem>>, vector<16xf32>,
        %convert_element_type3A_170 = arith.sitofp %shift_right_arithmetic3A_163 : vector<16xi32> to vector<16xf32>
        %mul3A_171 = arith.mulf %convert_element_type3A_170, %broadcast_in_dim3A_116 : vector<16xf32>
        %add3A_172 = arith.constant 16 : i32
        %add3A_173 = arith.addi %mul3A_141, %add3A_172 : i32
        %swap3A_174 = arith.index_cast %add3A_173 : i32 to index
        %swap3A_175 = tpu.vector_load %arg14[%swap3A_174] {strides = array<i32>} : memref<9088xf32, #tpu.memory_space<vmem>>, vector<16xf32>,
        tpu.vector_store %arg14[%swap3A_174], %mul3A_171 {strides = array<i32>} : memref<9088xf32, #tpu.memory_space<vmem>>, vector<16xf32>,
        %add3A_176 = arith.constant 32 : i32
        %add3A_177 = arith.addi %mul3A_141, %add3A_176 : i32
        %get3A_178 = arith.index_cast %add3A_177 : i32 to index
        %get3A_179 = tpu.vector_load %arg10[%get3A_178] {strides = array<i32>} : memref<9088xi32, #tpu.memory_space<vmem>>, vector<16xi32>,
        %shift_right_arithmetic3A_180 = arith.shrsi %get3A_179, %broadcast_in_dim3A_114 : vector<16xi32>
        %shift_left3A_181 = arith.shli %get3A_179, %broadcast_in_dim3A_114 : vector<16xi32>
        %shift_right_arithmetic3A_182 = arith.shrsi %shift_left3A_181, %broadcast_in_dim3A_114 : vector<16xi32>
        %convert_element_type3A_183 = arith.sitofp %shift_right_arithmetic3A_180 : vector<16xi32> to vector<16xf32>
        %mul3A_184 = arith.mulf %convert_element_type3A_183, %broadcast_in_dim3A_116 : vector<16xf32>
        %add3A_185 = arith.constant 32 : i32
        %add3A_186 = arith.addi %mul3A_141, %add3A_185 : i32
        %swap3A_187 = arith.index_cast %add3A_186 : i32 to index
        %swap3A_188 = tpu.vector_load %arg12[%swap3A_187] {strides = array<i32>} : memref<9088xf32, #tpu.memory_space<vmem>>, vector<16xf32>,
        tpu.vector_store %arg12[%swap3A_187], %mul3A_184 {strides = array<i32>} : memref<9088xf32, #tpu.memory_space<vmem>>, vector<16xf32>,
        %convert_element_type3A_189 = arith.sitofp %shift_right_arithmetic3A_182 : vector<16xi32> to vector<16xf32>
        %mul3A_190 = arith.mulf %convert_element_type3A_189, %broadcast_in_dim3A_116 : vector<16xf32>
        %add3A_191 = arith.constant 32 : i32
        %add3A_192 = arith.addi %mul3A_141, %add3A_191 : i32
        %swap3A_193 = arith.index_cast %add3A_192 : i32 to index
        %swap3A_194 = tpu.vector_load %arg14[%swap3A_193] {strides = array<i32>} : memref<9088xf32, #tpu.memory_space<vmem>>, vector<16xf32>,
        tpu.vector_store %arg14[%swap3A_193], %mul3A_190 {strides = array<i32>} : memref<9088xf32, #tpu.memory_space<vmem>>, vector<16xf32>,
        %add3A_195 = arith.constant 48 : i32
        %add3A_196 = arith.addi %mul3A_141, %add3A_195 : i32
        %get3A_197 = arith.index_cast %add3A_196 : i32 to index
        %get3A_198 = tpu.vector_load %arg10[%get3A_197] {strides = array<i32>} : memref<9088xi32, #tpu.memory_space<vmem>>, vector<16xi32>,
        %shift_right_arithmetic3A_199 = arith.shrsi %get3A_198, %broadcast_in_dim3A_114 : vector<16xi32>
        %shift_left3A_200 = arith.shli %get3A_198, %broadcast_in_dim3A_114 : vector<16xi32>
        %shift_right_arithmetic3A_201 = arith.shrsi %shift_left3A_200, %broadcast_in_dim3A_114 : vector<16xi32>
        %convert_element_type3A_202 = arith.sitofp %shift_right_arithmetic3A_199 : vector<16xi32> to vector<16xf32>
        %mul3A_203 = arith.mulf %convert_element_type3A_202, %broadcast_in_dim3A_116 : vector<16xf32>
        %add3A_204 = arith.constant 48 : i32
        %add3A_205 = arith.addi %mul3A_141, %add3A_204 : i32
        %swap3A_206 = arith.index_cast %add3A_205 : i32 to index
        %swap3A_207 = tpu.vector_load %arg12[%swap3A_206] {strides = array<i32>} : memref<9088xf32, #tpu.memory_space<vmem>>, vector<16xf32>,
        tpu.vector_store %arg12[%swap3A_206], %mul3A_203 {strides = array<i32>} : memref<9088xf32, #tpu.memory_space<vmem>>, vector<16xf32>,
        %convert_element_type3A_208 = arith.sitofp %shift_right_arithmetic3A_201 : vector<16xi32> to vector<16xf32>
        %mul3A_209 = arith.mulf %convert_element_type3A_208, %broadcast_in_dim3A_116 : vector<16xf32>
        %add3A_210 = arith.constant 48 : i32
        %add3A_211 = arith.addi %mul3A_141, %add3A_210 : i32
        %swap3A_212 = arith.index_cast %add3A_211 : i32 to index
        %swap3A_213 = tpu.vector_load %arg14[%swap3A_212] {strides = array<i32>} : memref<9088xf32, #tpu.memory_space<vmem>>, vector<16xf32>,
        tpu.vector_store %arg14[%swap3A_212], %mul3A_209 {strides = array<i32>} : memref<9088xf32, #tpu.memory_space<vmem>>, vector<16xf32>,
      }
      %scan3A_122 = arith.constant 142 : i32
      %dma_start3A_123 = arith.constant 0 : i32
      %dma_start3A_124 = tpu.memref_slice %arg22[%dma_start3A_123] : memref<100096xf32, #tpu.memory_space<vmem_shared>> -> memref<100096xf32, #tpu.memory_space<vmem_shared>>
      tpu.enqueue_indirect_dma source(%arg12 : memref<9088xf32, #tpu.memory_space<vmem>>) target(%dma_start3A_124 : memref<100096xf32, #tpu.memory_space<vmem_shared>>) offsets(%arg8 : memref<9088xi32, #tpu.memory_space<vmem>>) semaphore(%arg25 : memref<!tpu.dma_semaphore, #tpu.memory_space<semaphore_mem>>) {add = true}
      %dma_start3A_125 = arith.constant 0 : i32
      %dma_start3A_126 = tpu.memref_slice %arg23[%dma_start3A_125] : memref<100096xf32, #tpu.memory_space<vmem_shared>> -> memref<100096xf32, #tpu.memory_space<vmem_shared>>
      tpu.enqueue_indirect_dma source(%arg14 : memref<9088xf32, #tpu.memory_space<vmem>>) target(%dma_start3A_126 : memref<100096xf32, #tpu.memory_space<vmem_shared>>) offsets(%arg8 : memref<9088xi32, #tpu.memory_space<vmem>>) semaphore(%arg25 : memref<!tpu.dma_semaphore, #tpu.memory_space<semaphore_mem>>) {add = true}
      %ge3A_127 = arith.constant 1 : i32
      %ge3A_128 = arith.cmpi sge, %add3A_96, %ge3A_127 : i32
      %convert_element_type3A_129 = arith.extui %ge3A_128 : i1 to i32
      %cond3A_130 = arith.constant 0 : i32
      %cond3A_131 = arith.cmpi ne, %convert_element_type3A_129, %cond3A_130 : i32
      scf.if %cond3A_131 {
        %dma_wait3A_139 = arith.constant 0 : i32
        %dma_wait3A_140 = tpu.memref_slice %arg22[%dma_wait3A_139] : memref<100096xf32, #tpu.memory_space<vmem_shared>> -> memref<100096xf32, #tpu.memory_space<vmem_shared>>
        tpu.wait_indirect_dma semaphore(%arg25 : memref<!tpu.dma_semaphore, #tpu.memory_space<semaphore_mem>>) src(%arg11 : memref<9088xf32, #tpu.memory_space<vmem>>) dst(%dma_wait3A_140 : memref<100096xf32, #tpu.memory_space<vmem_shared>>)
        %dma_wait3A_141 = arith.constant 0 : i32
        %dma_wait3A_142 = tpu.memref_slice %arg23[%dma_wait3A_141] : memref<100096xf32, #tpu.memory_space<vmem_shared>> -> memref<100096xf32, #tpu.memory_space<vmem_shared>>
        tpu.wait_indirect_dma semaphore(%arg25 : memref<!tpu.dma_semaphore, #tpu.memory_space<semaphore_mem>>) src(%arg13 : memref<9088xf32, #tpu.memory_space<vmem>>) dst(%dma_wait3A_142 : memref<100096xf32, #tpu.memory_space<vmem_shared>>)
      } else {
      }
      %add3A_132 = arith.constant 1 : i32
      %add3A_133 = arith.addi %add3A_96, %add3A_132 : i32
      %lt3A_134 = arith.constant 22 : i32
      %lt3A_135 = arith.cmpi slt, %add3A_133, %lt3A_134 : i32
      %convert_element_type3A_136 = arith.extui %lt3A_135 : i1 to i32
      %cond3A_137 = arith.constant 0 : i32
      %cond3A_138 = arith.cmpi ne, %convert_element_type3A_136, %cond3A_137 : i32
      scf.if %cond3A_138 {
        %add3A_139 = arith.constant 1 : i32
        %add3A_140 = arith.addi %add3A_96, %add3A_139 : i32
        %mul3A_141 = arith.constant 9088 : i32
        %mul3A_142 = arith.muli %add3A_140, %mul3A_141 : i32
        %add3A_143 = arith.addi %mul3A_18, %mul3A_142 : i32
        %run_scoped3A_144 = arith.constant 1 : i32
        "tpu.region"() ({
          %run_scoped3A_145 = tpu.sem_alloc : memref<!tpu.dma_semaphore, #tpu.memory_space<semaphore_mem>>
          %dma_start3A_146 = tpu.memref_slice %arg3[%run_scoped3A_144, %add3A_143] : memref<2x6400000xi32, #tpu.memory_space<hbm>> -> memref<1x9088xi32, #tpu.memory_space<hbm>>
          %dma_start3A_147 = tpu.memref_squeeze %dma_start3A_146 : memref<1x9088xi32, #tpu.memory_space<hbm>> -> memref<9088xi32, #tpu.memory_space<hbm>>
          %dma_start3A_148 = tpu.memref_slice %arg3[%run_scoped3A_144, %add3A_143] : memref<2x6400000xi32, #tpu.memory_space<hbm>> -> memref<1x9088xi32, #tpu.memory_space<hbm>>
          %dma_start3A_149 = tpu.memref_squeeze %dma_start3A_148 : memref<1x9088xi32, #tpu.memory_space<hbm>> -> memref<9088xi32, #tpu.memory_space<hbm>>
          tpu.enqueue_dma source(%dma_start3A_149 : memref<9088xi32, #tpu.memory_space<hbm>>) target(%arg7 : memref<9088xi32, #tpu.memory_space<vmem>>) target_semaphore(%run_scoped3A_145 : memref<!tpu.dma_semaphore, #tpu.memory_space<semaphore_mem>>)
          %dma_wait3A_150 = tpu.memref_slice %arg3[%run_scoped3A_144, %add3A_143] : memref<2x6400000xi32, #tpu.memory_space<hbm>> -> memref<1x9088xi32, #tpu.memory_space<hbm>>
          %dma_wait3A_151 = tpu.memref_squeeze %dma_wait3A_150 : memref<1x9088xi32, #tpu.memory_space<hbm>> -> memref<9088xi32, #tpu.memory_space<hbm>>
          %dma_wait3A_152 = tpu.memref_slice %arg3[%run_scoped3A_144, %add3A_143] : memref<2x6400000xi32, #tpu.memory_space<hbm>> -> memref<1x9088xi32, #tpu.memory_space<hbm>>
          %dma_wait3A_153 = tpu.memref_squeeze %dma_wait3A_152 : memref<1x9088xi32, #tpu.memory_space<hbm>> -> memref<9088xi32, #tpu.memory_space<hbm>>
          tpu.wait_dma2 semaphore(%run_scoped3A_145 : memref<!tpu.dma_semaphore, #tpu.memory_space<semaphore_mem>>) src(%dma_wait3A_153 : memref<9088xi32, #tpu.memory_space<hbm>>) dst(%arg7 : memref<9088xi32, #tpu.memory_space<vmem>>)
          tpu.yield
        }) : () -> ()
      } else {
      }
    }
    %scan3A_26 = arith.constant 11 : i32
    %dma_wait3A = arith.constant 0 : i32
    %dma_wait3A_27 = tpu.memref_slice %arg22[%dma_wait3A] : memref<100096xf32, #tpu.memory_space<vmem_shared>> -> memref<100096xf32, #tpu.memory_space<vmem_shared>>
    tpu.wait_indirect_dma semaphore(%arg25 : memref<!tpu.dma_semaphore, #tpu.memory_space<semaphore_mem>>) src(%arg12 : memref<9088xf32, #tpu.memory_space<vmem>>) dst(%dma_wait3A_27 : memref<100096xf32, #tpu.memory_space<vmem_shared>>)
    %dma_wait3A_28 = arith.constant 0 : i32
    %dma_wait3A_29 = tpu.memref_slice %arg23[%dma_wait3A_28] : memref<100096xf32, #tpu.memory_space<vmem_shared>> -> memref<100096xf32, #tpu.memory_space<vmem_shared>>
    tpu.wait_indirect_dma semaphore(%arg25 : memref<!tpu.dma_semaphore, #tpu.memory_space<semaphore_mem>>) src(%arg14 : memref<9088xf32, #tpu.memory_space<vmem>>) dst(%dma_wait3A_29 : memref<100096xf32, #tpu.memory_space<vmem_shared>>)
    %sub3A = arith.constant 1562 : i32
    %sub3A_30 = arith.subi %add3A_16, %sub3A : i32
    %while3A = arith.constant 0 : i32
    %while3A_31 = arith.constant 0 : i32
    %while3A_32 = arith.subi %sub3A_30, %while3A_31 : i32
    %while3A_33 = arith.addi %while3A_31, %while3A_32 : i32
    %while3A_34 = arith.constant 1 : i32
    %while3A_35 = arith.divsi %while3A_32, %while3A_34 : i32
    %while3A_36 = arith.muli %while3A_35, %while3A_34 : i32
    %while3A_37 = arith.addi %while3A_31, %while3A_36 : i32
    %while3A_38 = arith.constant 1 : i32
    scf.for %while3A_49 = %while3A_31 to %while3A_37 step %while3A_38  : i32 {
      %add3A_50 = arith.constant 1562 : i32
      %add3A_51 = arith.addi %add3A_12, %add3A_50 : i32
      %add3A_52 = arith.addi %add3A_51, %while3A_49 : i32
      %mul3A_53 = arith.constant 128 : i32
      %mul3A_54 = arith.muli %add3A_52, %mul3A_53 : i32
      %run_scoped3A_55 = arith.constant 0 : i32
      "tpu.region"() ({
        %run_scoped3A_71 = tpu.sem_alloc : memref<!tpu.dma_semaphore, #tpu.memory_space<semaphore_mem>>
        %dma_start3A_72 = tpu.memref_slice %arg3[%run_scoped3A_55, %mul3A_54] : memref<2x6400000xi32, #tpu.memory_space<hbm>> -> memref<1x128xi32, #tpu.memory_space<hbm>>
        %dma_start3A_73 = tpu.memref_squeeze %dma_start3A_72 : memref<1x128xi32, #tpu.memory_space<hbm>> -> memref<128xi32, #tpu.memory_space<hbm>>
        %dma_start3A_74 = tpu.memref_slice %arg3[%run_scoped3A_55, %mul3A_54] : memref<2x6400000xi32, #tpu.memory_space<hbm>> -> memref<1x128xi32, #tpu.memory_space<hbm>>
        %dma_start3A_75 = tpu.memref_squeeze %dma_start3A_74 : memref<1x128xi32, #tpu.memory_space<hbm>> -> memref<128xi32, #tpu.memory_space<hbm>>
        tpu.enqueue_dma source(%dma_start3A_75 : memref<128xi32, #tpu.memory_space<hbm>>) target(%arg15 : memref<128xi32, #tpu.memory_space<vmem>>) target_semaphore(%run_scoped3A_71 : memref<!tpu.dma_semaphore, #tpu.memory_space<semaphore_mem>>)
        %dma_wait3A_76 = tpu.memref_slice %arg3[%run_scoped3A_55, %mul3A_54] : memref<2x6400000xi32, #tpu.memory_space<hbm>> -> memref<1x128xi32, #tpu.memory_space<hbm>>
        %dma_wait3A_77 = tpu.memref_squeeze %dma_wait3A_76 : memref<1x128xi32, #tpu.memory_space<hbm>> -> memref<128xi32, #tpu.memory_space<hbm>>
        %dma_wait3A_78 = tpu.memref_slice %arg3[%run_scoped3A_55, %mul3A_54] : memref<2x6400000xi32, #tpu.memory_space<hbm>> -> memref<1x128xi32, #tpu.memory_space<hbm>>
        %dma_wait3A_79 = tpu.memref_squeeze %dma_wait3A_78 : memref<1x128xi32, #tpu.memory_space<hbm>> -> memref<128xi32, #tpu.memory_space<hbm>>
        tpu.wait_dma2 semaphore(%run_scoped3A_71 : memref<!tpu.dma_semaphore, #tpu.memory_space<semaphore_mem>>) src(%dma_wait3A_79 : memref<128xi32, #tpu.memory_space<hbm>>) dst(%arg15 : memref<128xi32, #tpu.memory_space<vmem>>)
        tpu.yield
      }) : () -> ()
      %run_scoped3A_56 = arith.constant 1 : i32
      "tpu.region"() ({
        %run_scoped3A_71 = tpu.sem_alloc : memref<!tpu.dma_semaphore, #tpu.memory_space<semaphore_mem>>
        %dma_start3A_72 = tpu.memref_slice %arg3[%run_scoped3A_56, %mul3A_54] : memref<2x6400000xi32, #tpu.memory_space<hbm>> -> memref<1x128xi32, #tpu.memory_space<hbm>>
        %dma_start3A_73 = tpu.memref_squeeze %dma_start3A_72 : memref<1x128xi32, #tpu.memory_space<hbm>> -> memref<128xi32, #tpu.memory_space<hbm>>
        %dma_start3A_74 = tpu.memref_slice %arg3[%run_scoped3A_56, %mul3A_54] : memref<2x6400000xi32, #tpu.memory_space<hbm>> -> memref<1x128xi32, #tpu.memory_space<hbm>>
        %dma_start3A_75 = tpu.memref_squeeze %dma_start3A_74 : memref<1x128xi32, #tpu.memory_space<hbm>> -> memref<128xi32, #tpu.memory_space<hbm>>
        tpu.enqueue_dma source(%dma_start3A_75 : memref<128xi32, #tpu.memory_space<hbm>>) target(%arg16 : memref<128xi32, #tpu.memory_space<vmem>>) target_semaphore(%run_scoped3A_71 : memref<!tpu.dma_semaphore, #tpu.memory_space<semaphore_mem>>)
        %dma_wait3A_76 = tpu.memref_slice %arg3[%run_scoped3A_56, %mul3A_54] : memref<2x6400000xi32, #tpu.memory_space<hbm>> -> memref<1x128xi32, #tpu.memory_space<hbm>>
        %dma_wait3A_77 = tpu.memref_squeeze %dma_wait3A_76 : memref<1x128xi32, #tpu.memory_space<hbm>> -> memref<128xi32, #tpu.memory_space<hbm>>
        %dma_wait3A_78 = tpu.memref_slice %arg3[%run_scoped3A_56, %mul3A_54] : memref<2x6400000xi32, #tpu.memory_space<hbm>> -> memref<1x128xi32, #tpu.memory_space<hbm>>
        %dma_wait3A_79 = tpu.memref_squeeze %dma_wait3A_78 : memref<1x128xi32, #tpu.memory_space<hbm>> -> memref<128xi32, #tpu.memory_space<hbm>>
        tpu.wait_dma2 semaphore(%run_scoped3A_71 : memref<!tpu.dma_semaphore, #tpu.memory_space<semaphore_mem>>) src(%dma_wait3A_79 : memref<128xi32, #tpu.memory_space<hbm>>) dst(%arg16 : memref<128xi32, #tpu.memory_space<vmem>>)
        tpu.yield
      }) : () -> ()
      %dma_start3A_57 = arith.constant 0 : i32
      %dma_start3A_58 = tpu.memref_slice %arg21[%dma_start3A_57] : memref<100096xi32, #tpu.memory_space<vmem_shared>> -> memref<100096xi32, #tpu.memory_space<vmem_shared>>
      tpu.enqueue_indirect_dma source(%dma_start3A_58 : memref<100096xi32, #tpu.memory_space<vmem_shared>>) target(%arg17 : memref<128xi32, #tpu.memory_space<vmem>>) offsets(%arg15 : memref<128xi32, #tpu.memory_space<vmem>>) semaphore(%arg24 : memref<!tpu.dma_semaphore, #tpu.memory_space<semaphore_mem>>)
      %dma_wait3A_59 = arith.constant 0 : i32
      %dma_wait3A_60 = tpu.memref_slice %arg21[%dma_wait3A_59] : memref<100096xi32, #tpu.memory_space<vmem_shared>> -> memref<100096xi32, #tpu.memory_space<vmem_shared>>
      tpu.wait_indirect_dma semaphore(%arg24 : memref<!tpu.dma_semaphore, #tpu.memory_space<semaphore_mem>>) src(%dma_wait3A_60 : memref<100096xi32, #tpu.memory_space<vmem_shared>>) dst(%arg17 : memref<128xi32, #tpu.memory_space<vmem>>)
      %broadcast_in_dim3A_61 = arith.constant 16 : i32
      %broadcast_in_dim3A_62 = vector.broadcast %broadcast_in_dim3A_61 : i32 to vector<16xi32>
      %broadcast_in_dim3A_63 = arith.constant 6.10351563E-5 : f32
      %broadcast_in_dim3A_64 = vector.broadcast %broadcast_in_dim3A_63 : f32 to vector<16xf32>
      %scan3A_65 = arith.constant 0 : i32
      %scan3A_66 = arith.constant 0 : i32
      %scan3A_67 = arith.constant 2 : i32
      %scan3A_68 = arith.addi %scan3A_66, %scan3A_67 : i32
      %scan3A_69 = arith.constant 1 : i32
      scf.for %scan3A_71 = %scan3A_66 to %scan3A_68 step %scan3A_69  : i32 {
        %mul3A_72 = arith.constant 64 : i32
        %mul3A_73 = arith.muli %scan3A_71, %mul3A_72 : i32
        %add3A_74 = arith.constant 0 : i32
        %add3A_75 = arith.addi %mul3A_73, %add3A_74 : i32
        %get3A = arith.index_cast %add3A_75 : i32 to index
        %get3A_76 = tpu.vector_load %arg17[%get3A] {strides = array<i32>} : memref<128xi32, #tpu.memory_space<vmem>>, vector<16xi32>,
        %shift_right_arithmetic3A = arith.shrsi %get3A_76, %broadcast_in_dim3A_62 : vector<16xi32>
        %shift_left3A = arith.shli %get3A_76, %broadcast_in_dim3A_62 : vector<16xi32>
        %shift_right_arithmetic3A_77 = arith.shrsi %shift_left3A, %broadcast_in_dim3A_62 : vector<16xi32>
        %convert_element_type3A = arith.sitofp %shift_right_arithmetic3A : vector<16xi32> to vector<16xf32>
        %mul3A_78 = arith.mulf %convert_element_type3A, %broadcast_in_dim3A_64 : vector<16xf32>
        %add3A_79 = arith.constant 0 : i32
        %add3A_80 = arith.addi %mul3A_73, %add3A_79 : i32
        %swap3A = arith.index_cast %add3A_80 : i32 to index
        %swap3A_81 = tpu.vector_load %arg18[%swap3A] {strides = array<i32>} : memref<128xf32, #tpu.memory_space<vmem>>, vector<16xf32>,
        tpu.vector_store %arg18[%swap3A], %mul3A_78 {strides = array<i32>} : memref<128xf32, #tpu.memory_space<vmem>>, vector<16xf32>,
        %convert_element_type3A_82 = arith.sitofp %shift_right_arithmetic3A_77 : vector<16xi32> to vector<16xf32>
        %mul3A_83 = arith.mulf %convert_element_type3A_82, %broadcast_in_dim3A_64 : vector<16xf32>
        %add3A_84 = arith.constant 0 : i32
        %add3A_85 = arith.addi %mul3A_73, %add3A_84 : i32
        %swap3A_86 = arith.index_cast %add3A_85 : i32 to index
        %swap3A_87 = tpu.vector_load %arg19[%swap3A_86] {strides = array<i32>} : memref<128xf32, #tpu.memory_space<vmem>>, vector<16xf32>,
        tpu.vector_store %arg19[%swap3A_86], %mul3A_83 {strides = array<i32>} : memref<128xf32, #tpu.memory_space<vmem>>, vector<16xf32>,
        %add3A_88 = arith.constant 16 : i32
        %add3A_89 = arith.addi %mul3A_73, %add3A_88 : i32
        %get3A_90 = arith.index_cast %add3A_89 : i32 to index
        %get3A_91 = tpu.vector_load %arg17[%get3A_90] {strides = array<i32>} : memref<128xi32, #tpu.memory_space<vmem>>, vector<16xi32>,
        %shift_right_arithmetic3A_92 = arith.shrsi %get3A_91, %broadcast_in_dim3A_62 : vector<16xi32>
        %shift_left3A_93 = arith.shli %get3A_91, %broadcast_in_dim3A_62 : vector<16xi32>
        %shift_right_arithmetic3A_94 = arith.shrsi %shift_left3A_93, %broadcast_in_dim3A_62 : vector<16xi32>
        %convert_element_type3A_95 = arith.sitofp %shift_right_arithmetic3A_92 : vector<16xi32> to vector<16xf32>
        %mul3A_96 = arith.mulf %convert_element_type3A_95, %broadcast_in_dim3A_64 : vector<16xf32>
        %add3A_97 = arith.constant 16 : i32
        %add3A_98 = arith.addi %mul3A_73, %add3A_97 : i32
        %swap3A_99 = arith.index_cast %add3A_98 : i32 to index
        %swap3A_100 = tpu.vector_load %arg18[%swap3A_99] {strides = array<i32>} : memref<128xf32, #tpu.memory_space<vmem>>, vector<16xf32>,
        tpu.vector_store %arg18[%swap3A_99], %mul3A_96 {strides = array<i32>} : memref<128xf32, #tpu.memory_space<vmem>>, vector<16xf32>,
        %convert_element_type3A_101 = arith.sitofp %shift_right_arithmetic3A_94 : vector<16xi32> to vector<16xf32>
        %mul3A_102 = arith.mulf %convert_element_type3A_101, %broadcast_in_dim3A_64 : vector<16xf32>
        %add3A_103 = arith.constant 16 : i32
        %add3A_104 = arith.addi %mul3A_73, %add3A_103 : i32
        %swap3A_105 = arith.index_cast %add3A_104 : i32 to index
        %swap3A_106 = tpu.vector_load %arg19[%swap3A_105] {strides = array<i32>} : memref<128xf32, #tpu.memory_space<vmem>>, vector<16xf32>,
        tpu.vector_store %arg19[%swap3A_105], %mul3A_102 {strides = array<i32>} : memref<128xf32, #tpu.memory_space<vmem>>, vector<16xf32>,
        %add3A_107 = arith.constant 32 : i32
        %add3A_108 = arith.addi %mul3A_73, %add3A_107 : i32
        %get3A_109 = arith.index_cast %add3A_108 : i32 to index
        %get3A_110 = tpu.vector_load %arg17[%get3A_109] {strides = array<i32>} : memref<128xi32, #tpu.memory_space<vmem>>, vector<16xi32>,
        %shift_right_arithmetic3A_111 = arith.shrsi %get3A_110, %broadcast_in_dim3A_62 : vector<16xi32>
        %shift_left3A_112 = arith.shli %get3A_110, %broadcast_in_dim3A_62 : vector<16xi32>
        %shift_right_arithmetic3A_113 = arith.shrsi %shift_left3A_112, %broadcast_in_dim3A_62 : vector<16xi32>
        %convert_element_type3A_114 = arith.sitofp %shift_right_arithmetic3A_111 : vector<16xi32> to vector<16xf32>
        %mul3A_115 = arith.mulf %convert_element_type3A_114, %broadcast_in_dim3A_64 : vector<16xf32>
        %add3A_116 = arith.constant 32 : i32
        %add3A_117 = arith.addi %mul3A_73, %add3A_116 : i32
        %swap3A_118 = arith.index_cast %add3A_117 : i32 to index
        %swap3A_119 = tpu.vector_load %arg18[%swap3A_118] {strides = array<i32>} : memref<128xf32, #tpu.memory_space<vmem>>, vector<16xf32>,
        tpu.vector_store %arg18[%swap3A_118], %mul3A_115 {strides = array<i32>} : memref<128xf32, #tpu.memory_space<vmem>>, vector<16xf32>,
        %convert_element_type3A_120 = arith.sitofp %shift_right_arithmetic3A_113 : vector<16xi32> to vector<16xf32>
        %mul3A_121 = arith.mulf %convert_element_type3A_120, %broadcast_in_dim3A_64 : vector<16xf32>
        %add3A_122 = arith.constant 32 : i32
        %add3A_123 = arith.addi %mul3A_73, %add3A_122 : i32
        %swap3A_124 = arith.index_cast %add3A_123 : i32 to index
        %swap3A_125 = tpu.vector_load %arg19[%swap3A_124] {strides = array<i32>} : memref<128xf32, #tpu.memory_space<vmem>>, vector<16xf32>,
        tpu.vector_store %arg19[%swap3A_124], %mul3A_121 {strides = array<i32>} : memref<128xf32, #tpu.memory_space<vmem>>, vector<16xf32>,
        %add3A_126 = arith.constant 48 : i32
        %add3A_127 = arith.addi %mul3A_73, %add3A_126 : i32
        %get3A_128 = arith.index_cast %add3A_127 : i32 to index
        %get3A_129 = tpu.vector_load %arg17[%get3A_128] {strides = array<i32>} : memref<128xi32, #tpu.memory_space<vmem>>, vector<16xi32>,
        %shift_right_arithmetic3A_130 = arith.shrsi %get3A_129, %broadcast_in_dim3A_62 : vector<16xi32>
        %shift_left3A_131 = arith.shli %get3A_129, %broadcast_in_dim3A_62 : vector<16xi32>
        %shift_right_arithmetic3A_132 = arith.shrsi %shift_left3A_131, %broadcast_in_dim3A_62 : vector<16xi32>
        %convert_element_type3A_133 = arith.sitofp %shift_right_arithmetic3A_130 : vector<16xi32> to vector<16xf32>
        %mul3A_134 = arith.mulf %convert_element_type3A_133, %broadcast_in_dim3A_64 : vector<16xf32>
        %add3A_135 = arith.constant 48 : i32
        %add3A_136 = arith.addi %mul3A_73, %add3A_135 : i32
        %swap3A_137 = arith.index_cast %add3A_136 : i32 to index
        %swap3A_138 = tpu.vector_load %arg18[%swap3A_137] {strides = array<i32>} : memref<128xf32, #tpu.memory_space<vmem>>, vector<16xf32>,
        tpu.vector_store %arg18[%swap3A_137], %mul3A_134 {strides = array<i32>} : memref<128xf32, #tpu.memory_space<vmem>>, vector<16xf32>,
        %convert_element_type3A_139 = arith.sitofp %shift_right_arithmetic3A_132 : vector<16xi32> to vector<16xf32>
        %mul3A_140 = arith.mulf %convert_element_type3A_139, %broadcast_in_dim3A_64 : vector<16xf32>
        %add3A_141 = arith.constant 48 : i32
        %add3A_142 = arith.addi %mul3A_73, %add3A_141 : i32
        %swap3A_143 = arith.index_cast %add3A_142 : i32 to index
        %swap3A_144 = tpu.vector_load %arg19[%swap3A_143] {strides = array<i32>} : memref<128xf32, #tpu.memory_space<vmem>>, vector<16xf32>,
        tpu.vector_store %arg19[%swap3A_143], %mul3A_140 {strides = array<i32>} : memref<128xf32, #tpu.memory_space<vmem>>, vector<16xf32>,
      }
      %scan3A_70 = arith.constant 2 : i32
      "tpu.region"() ({
        %run_scoped3A_71 = tpu.sem_alloc : memref<!tpu.dma_semaphore, #tpu.memory_space<semaphore_mem>>
        %dma_start3A_72 = arith.constant 0 : i32
        %dma_start3A_73 = tpu.memref_slice %arg22[%dma_start3A_72] : memref<100096xf32, #tpu.memory_space<vmem_shared>> -> memref<100096xf32, #tpu.memory_space<vmem_shared>>
        tpu.enqueue_indirect_dma source(%arg18 : memref<128xf32, #tpu.memory_space<vmem>>) target(%dma_start3A_73 : memref<100096xf32, #tpu.memory_space<vmem_shared>>) offsets(%arg16 : memref<128xi32, #tpu.memory_space<vmem>>) semaphore(%run_scoped3A_71 : memref<!tpu.dma_semaphore, #tpu.memory_space<semaphore_mem>>) {add = true}
        %dma_wait3A_74 = arith.constant 0 : i32
        %dma_wait3A_75 = tpu.memref_slice %arg22[%dma_wait3A_74] : memref<100096xf32, #tpu.memory_space<vmem_shared>> -> memref<100096xf32, #tpu.memory_space<vmem_shared>>
        tpu.wait_indirect_dma semaphore(%run_scoped3A_71 : memref<!tpu.dma_semaphore, #tpu.memory_space<semaphore_mem>>) src(%arg18 : memref<128xf32, #tpu.memory_space<vmem>>) dst(%dma_wait3A_75 : memref<100096xf32, #tpu.memory_space<vmem_shared>>)
        tpu.yield
      }) : () -> ()
      "tpu.region"() ({
        %run_scoped3A_71 = tpu.sem_alloc : memref<!tpu.dma_semaphore, #tpu.memory_space<semaphore_mem>>
        %dma_start3A_72 = arith.constant 0 : i32
        %dma_start3A_73 = tpu.memref_slice %arg23[%dma_start3A_72] : memref<100096xf32, #tpu.memory_space<vmem_shared>> -> memref<100096xf32, #tpu.memory_space<vmem_shared>>
        tpu.enqueue_indirect_dma source(%arg19 : memref<128xf32, #tpu.memory_space<vmem>>) target(%dma_start3A_73 : memref<100096xf32, #tpu.memory_space<vmem_shared>>) offsets(%arg16 : memref<128xi32, #tpu.memory_space<vmem>>) semaphore(%run_scoped3A_71 : memref<!tpu.dma_semaphore, #tpu.memory_space<semaphore_mem>>) {add = true}
        %dma_wait3A_74 = arith.constant 0 : i32
        %dma_wait3A_75 = tpu.memref_slice %arg23[%dma_wait3A_74] : memref<100096xf32, #tpu.memory_space<vmem_shared>> -> memref<100096xf32, #tpu.memory_space<vmem_shared>>
        tpu.wait_indirect_dma semaphore(%run_scoped3A_71 : memref<!tpu.dma_semaphore, #tpu.memory_space<semaphore_mem>>) src(%arg19 : memref<128xf32, #tpu.memory_space<vmem>>) dst(%dma_wait3A_75 : memref<100096xf32, #tpu.memory_space<vmem_shared>>)
        tpu.yield
      }) : () -> ()
    }
    %while3A_39 = arith.constant 1 : i32
    scf.for %while3A_49 = %while3A_37 to %while3A_33 step %while3A_39  : i32 {
      %add3A_50 = arith.constant 1562 : i32
      %add3A_51 = arith.addi %add3A_12, %add3A_50 : i32
      %add3A_52 = arith.addi %add3A_51, %while3A_49 : i32
      %mul3A_53 = arith.constant 128 : i32
      %mul3A_54 = arith.muli %add3A_52, %mul3A_53 : i32
      %run_scoped3A_55 = arith.constant 0 : i32
      "tpu.region"() ({
        %run_scoped3A_71 = tpu.sem_alloc : memref<!tpu.dma_semaphore, #tpu.memory_space<semaphore_mem>>
        %dma_start3A_72 = tpu.memref_slice %arg3[%run_scoped3A_55, %mul3A_54] : memref<2x6400000xi32, #tpu.memory_space<hbm>> -> memref<1x128xi32, #tpu.memory_space<hbm>>
        %dma_start3A_73 = tpu.memref_squeeze %dma_start3A_72 : memref<1x128xi32, #tpu.memory_space<hbm>> -> memref<128xi32, #tpu.memory_space<hbm>>
        %dma_start3A_74 = tpu.memref_slice %arg3[%run_scoped3A_55, %mul3A_54] : memref<2x6400000xi32, #tpu.memory_space<hbm>> -> memref<1x128xi32, #tpu.memory_space<hbm>>
        %dma_start3A_75 = tpu.memref_squeeze %dma_start3A_74 : memref<1x128xi32, #tpu.memory_space<hbm>> -> memref<128xi32, #tpu.memory_space<hbm>>
        tpu.enqueue_dma source(%dma_start3A_75 : memref<128xi32, #tpu.memory_space<hbm>>) target(%arg15 : memref<128xi32, #tpu.memory_space<vmem>>) target_semaphore(%run_scoped3A_71 : memref<!tpu.dma_semaphore, #tpu.memory_space<semaphore_mem>>)
        %dma_wait3A_76 = tpu.memref_slice %arg3[%run_scoped3A_55, %mul3A_54] : memref<2x6400000xi32, #tpu.memory_space<hbm>> -> memref<1x128xi32, #tpu.memory_space<hbm>>
        %dma_wait3A_77 = tpu.memref_squeeze %dma_wait3A_76 : memref<1x128xi32, #tpu.memory_space<hbm>> -> memref<128xi32, #tpu.memory_space<hbm>>
        %dma_wait3A_78 = tpu.memref_slice %arg3[%run_scoped3A_55, %mul3A_54] : memref<2x6400000xi32, #tpu.memory_space<hbm>> -> memref<1x128xi32, #tpu.memory_space<hbm>>
        %dma_wait3A_79 = tpu.memref_squeeze %dma_wait3A_78 : memref<1x128xi32, #tpu.memory_space<hbm>> -> memref<128xi32, #tpu.memory_space<hbm>>
        tpu.wait_dma2 semaphore(%run_scoped3A_71 : memref<!tpu.dma_semaphore, #tpu.memory_space<semaphore_mem>>) src(%dma_wait3A_79 : memref<128xi32, #tpu.memory_space<hbm>>) dst(%arg15 : memref<128xi32, #tpu.memory_space<vmem>>)
        tpu.yield
      }) : () -> ()
      %run_scoped3A_56 = arith.constant 1 : i32
      "tpu.region"() ({
        %run_scoped3A_71 = tpu.sem_alloc : memref<!tpu.dma_semaphore, #tpu.memory_space<semaphore_mem>>
        %dma_start3A_72 = tpu.memref_slice %arg3[%run_scoped3A_56, %mul3A_54] : memref<2x6400000xi32, #tpu.memory_space<hbm>> -> memref<1x128xi32, #tpu.memory_space<hbm>>
        %dma_start3A_73 = tpu.memref_squeeze %dma_start3A_72 : memref<1x128xi32, #tpu.memory_space<hbm>> -> memref<128xi32, #tpu.memory_space<hbm>>
        %dma_start3A_74 = tpu.memref_slice %arg3[%run_scoped3A_56, %mul3A_54] : memref<2x6400000xi32, #tpu.memory_space<hbm>> -> memref<1x128xi32, #tpu.memory_space<hbm>>
        %dma_start3A_75 = tpu.memref_squeeze %dma_start3A_74 : memref<1x128xi32, #tpu.memory_space<hbm>> -> memref<128xi32, #tpu.memory_space<hbm>>
        tpu.enqueue_dma source(%dma_start3A_75 : memref<128xi32, #tpu.memory_space<hbm>>) target(%arg16 : memref<128xi32, #tpu.memory_space<vmem>>) target_semaphore(%run_scoped3A_71 : memref<!tpu.dma_semaphore, #tpu.memory_space<semaphore_mem>>)
        %dma_wait3A_76 = tpu.memref_slice %arg3[%run_scoped3A_56, %mul3A_54] : memref<2x6400000xi32, #tpu.memory_space<hbm>> -> memref<1x128xi32, #tpu.memory_space<hbm>>
        %dma_wait3A_77 = tpu.memref_squeeze %dma_wait3A_76 : memref<1x128xi32, #tpu.memory_space<hbm>> -> memref<128xi32, #tpu.memory_space<hbm>>
        %dma_wait3A_78 = tpu.memref_slice %arg3[%run_scoped3A_56, %mul3A_54] : memref<2x6400000xi32, #tpu.memory_space<hbm>> -> memref<1x128xi32, #tpu.memory_space<hbm>>
        %dma_wait3A_79 = tpu.memref_squeeze %dma_wait3A_78 : memref<1x128xi32, #tpu.memory_space<hbm>> -> memref<128xi32, #tpu.memory_space<hbm>>
        tpu.wait_dma2 semaphore(%run_scoped3A_71 : memref<!tpu.dma_semaphore, #tpu.memory_space<semaphore_mem>>) src(%dma_wait3A_79 : memref<128xi32, #tpu.memory_space<hbm>>) dst(%arg16 : memref<128xi32, #tpu.memory_space<vmem>>)
        tpu.yield
      }) : () -> ()
      %dma_start3A_57 = arith.constant 0 : i32
      %dma_start3A_58 = tpu.memref_slice %arg21[%dma_start3A_57] : memref<100096xi32, #tpu.memory_space<vmem_shared>> -> memref<100096xi32, #tpu.memory_space<vmem_shared>>
      tpu.enqueue_indirect_dma source(%dma_start3A_58 : memref<100096xi32, #tpu.memory_space<vmem_shared>>) target(%arg17 : memref<128xi32, #tpu.memory_space<vmem>>) offsets(%arg15 : memref<128xi32, #tpu.memory_space<vmem>>) semaphore(%arg24 : memref<!tpu.dma_semaphore, #tpu.memory_space<semaphore_mem>>)
      %dma_wait3A_59 = arith.constant 0 : i32
      %dma_wait3A_60 = tpu.memref_slice %arg21[%dma_wait3A_59] : memref<100096xi32, #tpu.memory_space<vmem_shared>> -> memref<100096xi32, #tpu.memory_space<vmem_shared>>
      tpu.wait_indirect_dma semaphore(%arg24 : memref<!tpu.dma_semaphore, #tpu.memory_space<semaphore_mem>>) src(%dma_wait3A_60 : memref<100096xi32, #tpu.memory_space<vmem_shared>>) dst(%arg17 : memref<128xi32, #tpu.memory_space<vmem>>)
      %broadcast_in_dim3A_61 = arith.constant 16 : i32
      %broadcast_in_dim3A_62 = vector.broadcast %broadcast_in_dim3A_61 : i32 to vector<16xi32>
      %broadcast_in_dim3A_63 = arith.constant 6.10351563E-5 : f32
      %broadcast_in_dim3A_64 = vector.broadcast %broadcast_in_dim3A_63 : f32 to vector<16xf32>
      %scan3A_65 = arith.constant 0 : i32
      %scan3A_66 = arith.constant 0 : i32
      %scan3A_67 = arith.constant 2 : i32
      %scan3A_68 = arith.addi %scan3A_66, %scan3A_67 : i32
      %scan3A_69 = arith.constant 1 : i32
      scf.for %scan3A_71 = %scan3A_66 to %scan3A_68 step %scan3A_69  : i32 {
        %mul3A_72 = arith.constant 64 : i32
        %mul3A_73 = arith.muli %scan3A_71, %mul3A_72 : i32
        %add3A_74 = arith.constant 0 : i32
        %add3A_75 = arith.addi %mul3A_73, %add3A_74 : i32
        %get3A = arith.index_cast %add3A_75 : i32 to index
        %get3A_76 = tpu.vector_load %arg17[%get3A] {strides = array<i32>} : memref<128xi32, #tpu.memory_space<vmem>>, vector<16xi32>,
        %shift_right_arithmetic3A = arith.shrsi %get3A_76, %broadcast_in_dim3A_62 : vector<16xi32>
        %shift_left3A = arith.shli %get3A_76, %broadcast_in_dim3A_62 : vector<16xi32>
        %shift_right_arithmetic3A_77 = arith.shrsi %shift_left3A, %broadcast_in_dim3A_62 : vector<16xi32>
        %convert_element_type3A = arith.sitofp %shift_right_arithmetic3A : vector<16xi32> to vector<16xf32>
        %mul3A_78 = arith.mulf %convert_element_type3A, %broadcast_in_dim3A_64 : vector<16xf32>
        %add3A_79 = arith.constant 0 : i32
        %add3A_80 = arith.addi %mul3A_73, %add3A_79 : i32
        %swap3A = arith.index_cast %add3A_80 : i32 to index
        %swap3A_81 = tpu.vector_load %arg18[%swap3A] {strides = array<i32>} : memref<128xf32, #tpu.memory_space<vmem>>, vector<16xf32>,
        tpu.vector_store %arg18[%swap3A], %mul3A_78 {strides = array<i32>} : memref<128xf32, #tpu.memory_space<vmem>>, vector<16xf32>,
        %convert_element_type3A_82 = arith.sitofp %shift_right_arithmetic3A_77 : vector<16xi32> to vector<16xf32>
        %mul3A_83 = arith.mulf %convert_element_type3A_82, %broadcast_in_dim3A_64 : vector<16xf32>
        %add3A_84 = arith.constant 0 : i32
        %add3A_85 = arith.addi %mul3A_73, %add3A_84 : i32
        %swap3A_86 = arith.index_cast %add3A_85 : i32 to index
        %swap3A_87 = tpu.vector_load %arg19[%swap3A_86] {strides = array<i32>} : memref<128xf32, #tpu.memory_space<vmem>>, vector<16xf32>,
        tpu.vector_store %arg19[%swap3A_86], %mul3A_83 {strides = array<i32>} : memref<128xf32, #tpu.memory_space<vmem>>, vector<16xf32>,
        %add3A_88 = arith.constant 16 : i32
        %add3A_89 = arith.addi %mul3A_73, %add3A_88 : i32
        %get3A_90 = arith.index_cast %add3A_89 : i32 to index
        %get3A_91 = tpu.vector_load %arg17[%get3A_90] {strides = array<i32>} : memref<128xi32, #tpu.memory_space<vmem>>, vector<16xi32>,
        %shift_right_arithmetic3A_92 = arith.shrsi %get3A_91, %broadcast_in_dim3A_62 : vector<16xi32>
        %shift_left3A_93 = arith.shli %get3A_91, %broadcast_in_dim3A_62 : vector<16xi32>
        %shift_right_arithmetic3A_94 = arith.shrsi %shift_left3A_93, %broadcast_in_dim3A_62 : vector<16xi32>
        %convert_element_type3A_95 = arith.sitofp %shift_right_arithmetic3A_92 : vector<16xi32> to vector<16xf32>
        %mul3A_96 = arith.mulf %convert_element_type3A_95, %broadcast_in_dim3A_64 : vector<16xf32>
        %add3A_97 = arith.constant 16 : i32
        %add3A_98 = arith.addi %mul3A_73, %add3A_97 : i32
        %swap3A_99 = arith.index_cast %add3A_98 : i32 to index
        %swap3A_100 = tpu.vector_load %arg18[%swap3A_99] {strides = array<i32>} : memref<128xf32, #tpu.memory_space<vmem>>, vector<16xf32>,
        tpu.vector_store %arg18[%swap3A_99], %mul3A_96 {strides = array<i32>} : memref<128xf32, #tpu.memory_space<vmem>>, vector<16xf32>,
        %convert_element_type3A_101 = arith.sitofp %shift_right_arithmetic3A_94 : vector<16xi32> to vector<16xf32>
        %mul3A_102 = arith.mulf %convert_element_type3A_101, %broadcast_in_dim3A_64 : vector<16xf32>
        %add3A_103 = arith.constant 16 : i32
        %add3A_104 = arith.addi %mul3A_73, %add3A_103 : i32
        %swap3A_105 = arith.index_cast %add3A_104 : i32 to index
        %swap3A_106 = tpu.vector_load %arg19[%swap3A_105] {strides = array<i32>} : memref<128xf32, #tpu.memory_space<vmem>>, vector<16xf32>,
        tpu.vector_store %arg19[%swap3A_105], %mul3A_102 {strides = array<i32>} : memref<128xf32, #tpu.memory_space<vmem>>, vector<16xf32>,
        %add3A_107 = arith.constant 32 : i32
        %add3A_108 = arith.addi %mul3A_73, %add3A_107 : i32
        %get3A_109 = arith.index_cast %add3A_108 : i32 to index
        %get3A_110 = tpu.vector_load %arg17[%get3A_109] {strides = array<i32>} : memref<128xi32, #tpu.memory_space<vmem>>, vector<16xi32>,
        %shift_right_arithmetic3A_111 = arith.shrsi %get3A_110, %broadcast_in_dim3A_62 : vector<16xi32>
        %shift_left3A_112 = arith.shli %get3A_110, %broadcast_in_dim3A_62 : vector<16xi32>
        %shift_right_arithmetic3A_113 = arith.shrsi %shift_left3A_112, %broadcast_in_dim3A_62 : vector<16xi32>
        %convert_element_type3A_114 = arith.sitofp %shift_right_arithmetic3A_111 : vector<16xi32> to vector<16xf32>
        %mul3A_115 = arith.mulf %convert_element_type3A_114, %broadcast_in_dim3A_64 : vector<16xf32>
        %add3A_116 = arith.constant 32 : i32
        %add3A_117 = arith.addi %mul3A_73, %add3A_116 : i32
        %swap3A_118 = arith.index_cast %add3A_117 : i32 to index
        %swap3A_119 = tpu.vector_load %arg18[%swap3A_118] {strides = array<i32>} : memref<128xf32, #tpu.memory_space<vmem>>, vector<16xf32>,
        tpu.vector_store %arg18[%swap3A_118], %mul3A_115 {strides = array<i32>} : memref<128xf32, #tpu.memory_space<vmem>>, vector<16xf32>,
        %convert_element_type3A_120 = arith.sitofp %shift_right_arithmetic3A_113 : vector<16xi32> to vector<16xf32>
        %mul3A_121 = arith.mulf %convert_element_type3A_120, %broadcast_in_dim3A_64 : vector<16xf32>
        %add3A_122 = arith.constant 32 : i32
        %add3A_123 = arith.addi %mul3A_73, %add3A_122 : i32
        %swap3A_124 = arith.index_cast %add3A_123 : i32 to index
        %swap3A_125 = tpu.vector_load %arg19[%swap3A_124] {strides = array<i32>} : memref<128xf32, #tpu.memory_space<vmem>>, vector<16xf32>,
        tpu.vector_store %arg19[%swap3A_124], %mul3A_121 {strides = array<i32>} : memref<128xf32, #tpu.memory_space<vmem>>, vector<16xf32>,
        %add3A_126 = arith.constant 48 : i32
        %add3A_127 = arith.addi %mul3A_73, %add3A_126 : i32
        %get3A_128 = arith.index_cast %add3A_127 : i32 to index
        %get3A_129 = tpu.vector_load %arg17[%get3A_128] {strides = array<i32>} : memref<128xi32, #tpu.memory_space<vmem>>, vector<16xi32>,
        %shift_right_arithmetic3A_130 = arith.shrsi %get3A_129, %broadcast_in_dim3A_62 : vector<16xi32>
        %shift_left3A_131 = arith.shli %get3A_129, %broadcast_in_dim3A_62 : vector<16xi32>
        %shift_right_arithmetic3A_132 = arith.shrsi %shift_left3A_131, %broadcast_in_dim3A_62 : vector<16xi32>
        %convert_element_type3A_133 = arith.sitofp %shift_right_arithmetic3A_130 : vector<16xi32> to vector<16xf32>
        %mul3A_134 = arith.mulf %convert_element_type3A_133, %broadcast_in_dim3A_64 : vector<16xf32>
        %add3A_135 = arith.constant 48 : i32
        %add3A_136 = arith.addi %mul3A_73, %add3A_135 : i32
        %swap3A_137 = arith.index_cast %add3A_136 : i32 to index
        %swap3A_138 = tpu.vector_load %arg18[%swap3A_137] {strides = array<i32>} : memref<128xf32, #tpu.memory_space<vmem>>, vector<16xf32>,
        tpu.vector_store %arg18[%swap3A_137], %mul3A_134 {strides = array<i32>} : memref<128xf32, #tpu.memory_space<vmem>>, vector<16xf32>,
        %convert_element_type3A_139 = arith.sitofp %shift_right_arithmetic3A_132 : vector<16xi32> to vector<16xf32>
        %mul3A_140 = arith.mulf %convert_element_type3A_139, %broadcast_in_dim3A_64 : vector<16xf32>
        %add3A_141 = arith.constant 48 : i32
        %add3A_142 = arith.addi %mul3A_73, %add3A_141 : i32
        %swap3A_143 = arith.index_cast %add3A_142 : i32 to index
        %swap3A_144 = tpu.vector_load %arg19[%swap3A_143] {strides = array<i32>} : memref<128xf32, #tpu.memory_space<vmem>>, vector<16xf32>,
        tpu.vector_store %arg19[%swap3A_143], %mul3A_140 {strides = array<i32>} : memref<128xf32, #tpu.memory_space<vmem>>, vector<16xf32>,
      }
      %scan3A_70 = arith.constant 2 : i32
      "tpu.region"() ({
        %run_scoped3A_71 = tpu.sem_alloc : memref<!tpu.dma_semaphore, #tpu.memory_space<semaphore_mem>>
        %dma_start3A_72 = arith.constant 0 : i32
        %dma_start3A_73 = tpu.memref_slice %arg22[%dma_start3A_72] : memref<100096xf32, #tpu.memory_space<vmem_shared>> -> memref<100096xf32, #tpu.memory_space<vmem_shared>>
        tpu.enqueue_indirect_dma source(%arg18 : memref<128xf32, #tpu.memory_space<vmem>>) target(%dma_start3A_73 : memref<100096xf32, #tpu.memory_space<vmem_shared>>) offsets(%arg16 : memref<128xi32, #tpu.memory_space<vmem>>) semaphore(%run_scoped3A_71 : memref<!tpu.dma_semaphore, #tpu.memory_space<semaphore_mem>>) {add = true}
        %dma_wait3A_74 = arith.constant 0 : i32
        %dma_wait3A_75 = tpu.memref_slice %arg22[%dma_wait3A_74] : memref<100096xf32, #tpu.memory_space<vmem_shared>> -> memref<100096xf32, #tpu.memory_space<vmem_shared>>
        tpu.wait_indirect_dma semaphore(%run_scoped3A_71 : memref<!tpu.dma_semaphore, #tpu.memory_space<semaphore_mem>>) src(%arg18 : memref<128xf32, #tpu.memory_space<vmem>>) dst(%dma_wait3A_75 : memref<100096xf32, #tpu.memory_space<vmem_shared>>)
        tpu.yield
      }) : () -> ()
      "tpu.region"() ({
        %run_scoped3A_71 = tpu.sem_alloc : memref<!tpu.dma_semaphore, #tpu.memory_space<semaphore_mem>>
        %dma_start3A_72 = arith.constant 0 : i32
        %dma_start3A_73 = tpu.memref_slice %arg23[%dma_start3A_72] : memref<100096xf32, #tpu.memory_space<vmem_shared>> -> memref<100096xf32, #tpu.memory_space<vmem_shared>>
        tpu.enqueue_indirect_dma source(%arg19 : memref<128xf32, #tpu.memory_space<vmem>>) target(%dma_start3A_73 : memref<100096xf32, #tpu.memory_space<vmem_shared>>) offsets(%arg16 : memref<128xi32, #tpu.memory_space<vmem>>) semaphore(%run_scoped3A_71 : memref<!tpu.dma_semaphore, #tpu.memory_space<semaphore_mem>>) {add = true}
        %dma_wait3A_74 = arith.constant 0 : i32
        %dma_wait3A_75 = tpu.memref_slice %arg23[%dma_wait3A_74] : memref<100096xf32, #tpu.memory_space<vmem_shared>> -> memref<100096xf32, #tpu.memory_space<vmem_shared>>
        tpu.wait_indirect_dma semaphore(%run_scoped3A_71 : memref<!tpu.dma_semaphore, #tpu.memory_space<semaphore_mem>>) src(%arg19 : memref<128xf32, #tpu.memory_space<vmem>>) dst(%dma_wait3A_75 : memref<100096xf32, #tpu.memory_space<vmem_shared>>)
        tpu.yield
      }) : () -> ()
    }
    %barrier3A_40 = arith.constant 0 : index
    tpu.barrier barrier_id(%barrier3A_40)
    "tpu.region"() ({
      %run_scoped3A_49 = tpu.sem_alloc : memref<!tpu.dma_semaphore, #tpu.memory_space<semaphore_mem>>
      %dma_start3A_50 = tpu.memref_slice %arg22[%mul3A_2] : memref<100096xf32, #tpu.memory_space<vmem_shared>> -> memref<6256xf32, #tpu.memory_space<vmem_shared>>
      %dma_start3A_51 = tpu.memref_slice %arg22[%mul3A_2] : memref<100096xf32, #tpu.memory_space<vmem_shared>> -> memref<6256xf32, #tpu.memory_space<vmem_shared>>
      tpu.enqueue_dma source(%dma_start3A_51 : memref<6256xf32, #tpu.memory_space<vmem_shared>>) target(%arg20 : memref<6256xf32, #tpu.memory_space<vmem>>) target_semaphore(%run_scoped3A_49 : memref<!tpu.dma_semaphore, #tpu.memory_space<semaphore_mem>>)
      %dma_wait3A_52 = tpu.memref_slice %arg22[%mul3A_2] : memref<100096xf32, #tpu.memory_space<vmem_shared>> -> memref<6256xf32, #tpu.memory_space<vmem_shared>>
      %dma_wait3A_53 = tpu.memref_slice %arg22[%mul3A_2] : memref<100096xf32, #tpu.memory_space<vmem_shared>> -> memref<6256xf32, #tpu.memory_space<vmem_shared>>
      tpu.wait_dma2 semaphore(%run_scoped3A_49 : memref<!tpu.dma_semaphore, #tpu.memory_space<semaphore_mem>>) src(%dma_wait3A_53 : memref<6256xf32, #tpu.memory_space<vmem_shared>>) dst(%arg20 : memref<6256xf32, #tpu.memory_space<vmem>>)
      tpu.yield
    }) : () -> ()
    %mul3A_41 = arith.constant 100096 : i32
    %mul3A_42 = arith.muli %arg0, %mul3A_41 : i32
    %add3A_43 = arith.addi %mul3A_42, %mul3A_2 : i32
    "tpu.region"() ({
      %run_scoped3A_49 = tpu.sem_alloc : memref<!tpu.dma_semaphore, #tpu.memory_space<semaphore_mem>>
      %dma_start3A_50 = tpu.memref_slice %arg4[%add3A_43] : memref<400384xf32, #tpu.memory_space<hbm>> -> memref<6256xf32, #tpu.memory_space<hbm>>
      %dma_start3A_51 = tpu.memref_slice %arg4[%add3A_43] : memref<400384xf32, #tpu.memory_space<hbm>> -> memref<6256xf32, #tpu.memory_space<hbm>>
      tpu.enqueue_dma source(%arg20 : memref<6256xf32, #tpu.memory_space<vmem>>) target(%dma_start3A_51 : memref<6256xf32, #tpu.memory_space<hbm>>) target_semaphore(%run_scoped3A_49 : memref<!tpu.dma_semaphore, #tpu.memory_space<semaphore_mem>>)
      %dma_wait3A_52 = tpu.memref_slice %arg4[%add3A_43] : memref<400384xf32, #tpu.memory_space<hbm>> -> memref<6256xf32, #tpu.memory_space<hbm>>
      %dma_wait3A_53 = tpu.memref_slice %arg4[%add3A_43] : memref<400384xf32, #tpu.memory_space<hbm>> -> memref<6256xf32, #tpu.memory_space<hbm>>
      tpu.wait_dma2 semaphore(%run_scoped3A_49 : memref<!tpu.dma_semaphore, #tpu.memory_space<semaphore_mem>>) src(%arg20 : memref<6256xf32, #tpu.memory_space<vmem>>) dst(%dma_wait3A_53 : memref<6256xf32, #tpu.memory_space<hbm>>)
      tpu.yield
    }) : () -> ()
    "tpu.region"() ({
      %run_scoped3A_49 = tpu.sem_alloc : memref<!tpu.dma_semaphore, #tpu.memory_space<semaphore_mem>>
      %dma_start3A_50 = tpu.memref_slice %arg23[%mul3A_2] : memref<100096xf32, #tpu.memory_space<vmem_shared>> -> memref<6256xf32, #tpu.memory_space<vmem_shared>>
      %dma_start3A_51 = tpu.memref_slice %arg23[%mul3A_2] : memref<100096xf32, #tpu.memory_space<vmem_shared>> -> memref<6256xf32, #tpu.memory_space<vmem_shared>>
      tpu.enqueue_dma source(%dma_start3A_51 : memref<6256xf32, #tpu.memory_space<vmem_shared>>) target(%arg20 : memref<6256xf32, #tpu.memory_space<vmem>>) target_semaphore(%run_scoped3A_49 : memref<!tpu.dma_semaphore, #tpu.memory_space<semaphore_mem>>)
      %dma_wait3A_52 = tpu.memref_slice %arg23[%mul3A_2] : memref<100096xf32, #tpu.memory_space<vmem_shared>> -> memref<6256xf32, #tpu.memory_space<vmem_shared>>
      %dma_wait3A_53 = tpu.memref_slice %arg23[%mul3A_2] : memref<100096xf32, #tpu.memory_space<vmem_shared>> -> memref<6256xf32, #tpu.memory_space<vmem_shared>>
      tpu.wait_dma2 semaphore(%run_scoped3A_49 : memref<!tpu.dma_semaphore, #tpu.memory_space<semaphore_mem>>) src(%dma_wait3A_53 : memref<6256xf32, #tpu.memory_space<vmem_shared>>) dst(%arg20 : memref<6256xf32, #tpu.memory_space<vmem>>)
      tpu.yield
    }) : () -> ()
    %mul3A_44 = arith.constant 100096 : i32
    %mul3A_45 = arith.muli %arg0, %mul3A_44 : i32
    %add3A_46 = arith.constant 200192 : i32
    %add3A_47 = arith.addi %add3A_46, %mul3A_45 : i32
    %add3A_48 = arith.addi %add3A_47, %mul3A_2 : i32
    "tpu.region"() ({
      %run_scoped3A_49 = tpu.sem_alloc : memref<!tpu.dma_semaphore, #tpu.memory_space<semaphore_mem>>
      %dma_start3A_50 = tpu.memref_slice %arg4[%add3A_48] : memref<400384xf32, #tpu.memory_space<hbm>> -> memref<6256xf32, #tpu.memory_space<hbm>>
      %dma_start3A_51 = tpu.memref_slice %arg4[%add3A_48] : memref<400384xf32, #tpu.memory_space<hbm>> -> memref<6256xf32, #tpu.memory_space<hbm>>
      tpu.enqueue_dma source(%arg20 : memref<6256xf32, #tpu.memory_space<vmem>>) target(%dma_start3A_51 : memref<6256xf32, #tpu.memory_space<hbm>>) target_semaphore(%run_scoped3A_49 : memref<!tpu.dma_semaphore, #tpu.memory_space<semaphore_mem>>)
      %dma_wait3A_52 = tpu.memref_slice %arg4[%add3A_48] : memref<400384xf32, #tpu.memory_space<hbm>> -> memref<6256xf32, #tpu.memory_space<hbm>>
      %dma_wait3A_53 = tpu.memref_slice %arg4[%add3A_48] : memref<400384xf32, #tpu.memory_space<hbm>> -> memref<6256xf32, #tpu.memory_space<hbm>>
      tpu.wait_dma2 semaphore(%run_scoped3A_49 : memref<!tpu.dma_semaphore, #tpu.memory_space<semaphore_mem>>) src(%arg20 : memref<6256xf32, #tpu.memory_space<vmem>>) dst(%dma_wait3A_53 : memref<6256xf32, #tpu.memory_space<hbm>>)
      tpu.yield
    }) : () -> ()
    return
  }
}

module attributes {stable_mosaic.version = 14 : i64} {
  func.func @_prep_body(%arg0: memref<782x128xf32, #tpu.memory_space<vmem>>, %arg1: memref<782x128xi32, #tpu.memory_space<vmem>>) attributes {dimension_semantics = [], scalar_prefetch = 0 : i64, scratch_operands = 0 : i64, tpu.core_type = #tpu.core_type<tc>} {
    %get3A = arith.constant 0 : index
    %get3A_0 = arith.constant 0 : index
    %get3A_1 = vector.load %arg0[%get3A, %get3A_0] : memref<782x128xf32, #tpu.memory_space<vmem>>, vector<782x128xf32>
    %cos3A = math.cos %get3A_1 : vector<782x128xf32>
    %mul3A = arith.constant 1.638400e+04 : f32
    %mul3A_2 = vector.broadcast %mul3A : f32 to vector<782x128xf32>
    %mul3A_3 = arith.mulf %cos3A, %mul3A_2 : vector<782x128xf32>
    %round3A = math.roundeven %mul3A_3 : vector<782x128xf32>
    %convert_element_type3A = arith.fptosi %round3A : vector<782x128xf32> to vector<782x128xi32>
    %sin3A = math.sin %get3A_1 : vector<782x128xf32>
    %mul3A_4 = arith.constant 1.638400e+04 : f32
    %mul3A_5 = vector.broadcast %mul3A_4 : f32 to vector<782x128xf32>
    %mul3A_6 = arith.mulf %sin3A, %mul3A_5 : vector<782x128xf32>
    %round3A_7 = math.roundeven %mul3A_6 : vector<782x128xf32>
    %convert_element_type3A_8 = arith.fptosi %round3A_7 : vector<782x128xf32> to vector<782x128xi32>
    %shift_left3A = arith.constant 16 : i32
    %shift_left3A_9 = vector.broadcast %shift_left3A : i32 to vector<782x128xi32>
    %shift_left3A_10 = arith.shli %convert_element_type3A, %shift_left3A_9 : vector<782x128xi32>
    %and3A = arith.constant 65535 : i32
    %and3A_11 = vector.broadcast %and3A : i32 to vector<782x128xi32>
    %and3A_12 = arith.andi %convert_element_type3A_8, %and3A_11 : vector<782x128xi32>
    %or3A = arith.ori %shift_left3A_10, %and3A_12 : vector<782x128xi32>
    %swap3A = arith.constant 0 : index
    %swap3A_13 = arith.constant 0 : index
    %swap3A_14 = vector.load %arg1[%swap3A, %swap3A_13] : memref<782x128xi32, #tpu.memory_space<vmem>>, vector<782x128xi32>
    tpu.vector_store %arg1[%swap3A, %swap3A_13], %or3A {strides = array<i32>} : memref<782x128xi32, #tpu.memory_space<vmem>>, vector<782x128xi32>,
    return
  }
}

module attributes {stable_mosaic.version = 14 : i64} {
  func.func @_finish_body(%arg0: memref<782x128xf32, #tpu.memory_space<vmem>>, %arg1: memref<2x2x782x128xf32, #tpu.memory_space<vmem>>, %arg2: memref<1x1xf32, #tpu.memory_space<smem>>, %arg3: memref<1x1xf32, #tpu.memory_space<smem>>, %arg4: memref<3x782x128xf32, #tpu.memory_space<vmem>>) attributes {dimension_semantics = [], scalar_prefetch = 0 : i64, scratch_operands = 0 : i64, tpu.core_type = #tpu.core_type<tc>} {
    %get3A = arith.constant 0 : index
    %get3A_0 = arith.constant 0 : index
    %get3A_1 = vector.load %arg0[%get3A, %get3A_0] : memref<782x128xf32, #tpu.memory_space<vmem>>, vector<782x128xf32>
    %cos3A = math.cos %get3A_1 : vector<782x128xf32>
    %sin3A = math.sin %get3A_1 : vector<782x128xf32>
    %get3A_2 = arith.constant 0 : index
    %get3A_3 = arith.constant 0 : index
    %get3A_4 = arith.constant 0 : index
    %get3A_5 = arith.constant 0 : index
    %get3A_6 = vector.load %arg1[%get3A_2, %get3A_3, %get3A_4, %get3A_5] : memref<2x2x782x128xf32, #tpu.memory_space<vmem>>, vector<1x1x782x128xf32>
    %get3A_7 = vector.shape_cast %get3A_6 : vector<1x1x782x128xf32> to vector<782x128xf32>
    %get3A_8 = arith.constant 0 : index
    %get3A_9 = arith.constant 1 : index
    %get3A_10 = arith.constant 0 : index
    %get3A_11 = arith.constant 0 : index
    %get3A_12 = vector.load %arg1[%get3A_8, %get3A_9, %get3A_10, %get3A_11] : memref<2x2x782x128xf32, #tpu.memory_space<vmem>>, vector<1x1x782x128xf32>
    %get3A_13 = vector.shape_cast %get3A_12 : vector<1x1x782x128xf32> to vector<782x128xf32>
    %add3A = arith.addf %get3A_7, %get3A_13 : vector<782x128xf32>
    %get3A_14 = arith.constant 1 : index
    %get3A_15 = arith.constant 0 : index
    %get3A_16 = arith.constant 0 : index
    %get3A_17 = arith.constant 0 : index
    %get3A_18 = vector.load %arg1[%get3A_14, %get3A_15, %get3A_16, %get3A_17] : memref<2x2x782x128xf32, #tpu.memory_space<vmem>>, vector<1x1x782x128xf32>
    %get3A_19 = vector.shape_cast %get3A_18 : vector<1x1x782x128xf32> to vector<782x128xf32>
    %get3A_20 = arith.constant 1 : index
    %get3A_21 = arith.constant 1 : index
    %get3A_22 = arith.constant 0 : index
    %get3A_23 = arith.constant 0 : index
    %get3A_24 = vector.load %arg1[%get3A_20, %get3A_21, %get3A_22, %get3A_23] : memref<2x2x782x128xf32, #tpu.memory_space<vmem>>, vector<1x1x782x128xf32>
    %get3A_25 = vector.shape_cast %get3A_24 : vector<1x1x782x128xf32> to vector<782x128xf32>
    %add3A_26 = arith.addf %get3A_19, %get3A_25 : vector<782x128xf32>
    %get3A_27 = arith.constant 0 : index
    %get3A_28 = arith.constant 0 : index
    %get3A_29 = memref.load %arg2[%get3A_27, %get3A_28] : memref<1x1xf32, #tpu.memory_space<smem>>
    %get3A_30 = arith.constant 0 : index
    %get3A_31 = arith.constant 0 : index
    %get3A_32 = memref.load %arg3[%get3A_30, %get3A_31] : memref<1x1xf32, #tpu.memory_space<smem>>
    %mul3A = vector.broadcast %get3A_29 : f32 to vector<782x128xf32>
    %mul3A_33 = arith.mulf %mul3A, %cos3A : vector<782x128xf32>
    %swap3A = arith.constant 0 : index
    %swap3A_34 = arith.constant 0 : index
    %swap3A_35 = arith.constant 0 : index
    %swap3A_36 = vector.load %arg4[%swap3A, %swap3A_34, %swap3A_35] : memref<3x782x128xf32, #tpu.memory_space<vmem>>, vector<1x782x128xf32>
    %swap3A_37 = vector.shape_cast %swap3A_36 : vector<1x782x128xf32> to vector<782x128xf32>
    %swap3A_38 = vector.shape_cast %mul3A_33 : vector<782x128xf32> to vector<1x782x128xf32>
    tpu.vector_store %arg4[%swap3A, %swap3A_34, %swap3A_35], %swap3A_38 {strides = array<i32>} : memref<3x782x128xf32, #tpu.memory_space<vmem>>, vector<1x782x128xf32>,
    %mul3A_39 = vector.broadcast %get3A_29 : f32 to vector<782x128xf32>
    %mul3A_40 = arith.mulf %mul3A_39, %sin3A : vector<782x128xf32>
    %swap3A_41 = arith.constant 1 : index
    %swap3A_42 = arith.constant 0 : index
    %swap3A_43 = arith.constant 0 : index
    %swap3A_44 = vector.load %arg4[%swap3A_41, %swap3A_42, %swap3A_43] : memref<3x782x128xf32, #tpu.memory_space<vmem>>, vector<1x782x128xf32>
    %swap3A_45 = vector.shape_cast %swap3A_44 : vector<1x782x128xf32> to vector<782x128xf32>
    %swap3A_46 = vector.shape_cast %mul3A_40 : vector<782x128xf32> to vector<1x782x128xf32>
    tpu.vector_store %arg4[%swap3A_41, %swap3A_42, %swap3A_43], %swap3A_46 {strides = array<i32>} : memref<3x782x128xf32, #tpu.memory_space<vmem>>, vector<1x782x128xf32>,
    %mul3A_47 = arith.mulf %cos3A, %add3A_26 : vector<782x128xf32>
    %mul3A_48 = arith.mulf %sin3A, %add3A : vector<782x128xf32>
    %sub3A = arith.subf %mul3A_47, %mul3A_48 : vector<782x128xf32>
    %mul3A_49 = arith.mulf %add3A, %add3A : vector<782x128xf32>
    %mul3A_50 = arith.mulf %add3A_26, %add3A_26 : vector<782x128xf32>
    %add3A_51 = arith.addf %mul3A_49, %mul3A_50 : vector<782x128xf32>
    %sqrt3A = math.sqrt %add3A_51 : vector<782x128xf32>
    %mul3A_52 = vector.broadcast %get3A_32 : f32 to vector<782x128xf32>
    %mul3A_53 = arith.mulf %mul3A_52, %sub3A : vector<782x128xf32>
    %max3A = arith.constant 9.99999996E-13 : f32
    %max3A_54 = vector.broadcast %max3A : f32 to vector<782x128xf32>
    %max3A_55 = arith.maximumf %sqrt3A, %max3A_54 : vector<782x128xf32>
    %div3A = arith.divf %mul3A_53, %max3A_55 : vector<782x128xf32>
    %swap3A_56 = arith.constant 2 : index
    %swap3A_57 = arith.constant 0 : index
    %swap3A_58 = arith.constant 0 : index
    %swap3A_59 = vector.load %arg4[%swap3A_56, %swap3A_57, %swap3A_58] : memref<3x782x128xf32, #tpu.memory_space<vmem>>, vector<1x782x128xf32>
    %swap3A_60 = vector.shape_cast %swap3A_59 : vector<1x782x128xf32> to vector<782x128xf32>
    %swap3A_61 = vector.shape_cast %div3A : vector<782x128xf32> to vector<1x782x128xf32>
    tpu.vector_store %arg4[%swap3A_56, %swap3A_57, %swap3A_58], %swap3A_61 {strides = array<i32>} : memref<3x782x128xf32, #tpu.memory_space<vmem>>, vector<1x782x128xf32>,
    return
  }
}

</mosaic_0001>

<sc_bundles>
// kernel: kernel.5.cloned.1.call-start
scs
__scs_entry_jumppad:
0x0: {  	(pc) =	sbr.rel $0x88, $3  }
0x1: {  	(tag) =	ssettag $0x0;
	lr =	simm.s32 $0x1  }
0x2: {  	[smem:$0x3F9D] =	sst lr;
	_ =	strace $0xD0000000  }
0x3: {  	_ = 	snop  }
0x4: {  	_ = 	snop  }
0x5: {  	_ = 	snop  }
0x6: {  	_ = 	snop  }
0x7: {  	_ = 	snop  }
__scs_overlays_trampoline_lowered:
0x8: {  	[smem:$0x3FAC] =	sst s0  }
0x9: {  	[smem:$0x3FAD] =	sst s1  }
0xa: {  	[smem:$0x3FAE] =	sst s2  }
0xb: {  	[smem:$0x3FAF] =	sst s3  }
0xc: {  	[smem:$0x3FB0] =	sst s4  }
0xd: {  	[smem:$0x3FB1] =	sst s5  }
0xe: {  	[smem:$0x3FB2] =	sst s6  }
0xf: {  	[smem:$0x3FB3] =	sst s7  }
0x10: {  	[smem:$0x3FB4] =	sst s8  }
0x11: {  	[smem:$0x3FB5] =	sst s9;
	s0 =	simm.s32 @!p0 $0x0  }
0x12: {  	s1 =	sld [smem:$0x3F9B];
	s0 =	simm.s32 @p0 $0x1  }
0x13: {  	[smem:$0x3FB6] =	sst s0;
	s0 =	simm.s32 @!p1 $0x0  }
0x14: {  	s2 =	sld [smem:$0x3F9A];
	s0 =	simm.s32 @p1 $0x1  }
0x15: {  	[smem:$0x3FB7] =	sst s0;
	s0 =	simm.s32 @!p2 $0x0  }
0x16: {  	s3 =	sld [smem:$0x3FDB];
	s0 =	simm.s32 @p2 $0x1  }
0x17: {  	s4 =	simm.s32 $0x1BF5;
	[smem:$0x3FB9] =	sst s0  }
0x18: {  	s0 =	sld [smem:$0x3F9C];
	_ =	swait.ge [sflag:s4], $0x0  }
0x19: {  	s7 =	sld [smem:$0x3F9D]  }
0x1a: {  	s8 =	sadd.s32 $0xFFFFE003, lr  }
0x1b: {  	s9 =	sadd.s32 $0xFFFFFEF7, lr;
	s5 =	simm.s32 $0xFFFFFFFF;
	p2 =	slt.u32 s8, $0xFFFFF086  }
0x1c: {  	p1 =	slt.u32 s9, $0xF7A;
	s5 =	simm.s32 @!p2 $0x0  }
0x1d: {  	s5 =	simm.s32 @p1 $0x1;
	p0 =	seq.s32 s7, s2  }
0x1e: {  	s7 =	smul.u32 @!p0 $0xF7A, s2;
	p2 =	seq.s32 @!p0 s5, $0x0  }
0x1f: {  	s9 =	smul.u32 $0xF7A, s1;
	s8 =	simm.s32 @!p0 $0x1BF5;
	p2 =	por !p2, p0  }
0x20: {  	[sflag:s8] =	ssyncset.s32 @!p0 $0xFFFFF086;
	s6 =	sadd.s32 @!p0 s3, s7;
	s7 =	simm.s32 @!p0 $0x108  }
0x21: {  	s3 =	sadd.s32 s3, s9;
	s6 =	sadd.s32 @!p0 $0x88, s6;
	s7 =	simm.s32 @p2 $0x1082  }
0x22: {  	[simem:s7], [sflag:s8] =	dma.local @!p0 [hbm:s6], $0xF7A  }
0x23: {  	s9 =	sor.u32 $0xD0000000, s2;
	s6 =	simm.s32 $0x108;
	_ =	swait.ge @!p0 [sflag:s8], $0x0  }
0x24: {  	s3 =	sadd.s32 $0x88, s3;
	s6 =	simm.s32 @!p1 $0x1082;
	[sflag:s4] =	ssyncset.s32 $0xFFFFF086  }
0x25: {  	[simem:s6], [sflag:s4] =	dma.local [hbm:s3], $0xF7A  }
0x26: {  	[smem:$0x3F9D] =	sst s1;
	(tag) =	ssettag s2;
	_ =	strace s9  }
0x27: {  	s1 =	sld [smem:$0x3FAD]  }
0x28: {  	s2 =	sld [smem:$0x3FAE]  }
0x29: {  	s4 =	sld [smem:$0x3FB0]  }
0x2a: {  	p0 =	seq.s32 s5, $0x0;
	s5 =	sld [smem:$0x3FB1]  }
0x2b: {  	s6 =	sld [smem:$0x3FB2]  }
0x2c: {  	s7 =	sld [smem:$0x3FB3]  }
0x2d: {  	s3 =	simm.s32 $0x108;
	s8 =	sld [smem:$0x3FB4]  }
0x2e: {  	s3 =	simm.s32 @!p0 $0x1082;
	s9 =	sld [smem:$0x3FB5]  }
0x2f: {  	lr =	sadd.s32 s0, s3;
	s0 =	sld [smem:$0x3FAC]  }
0x30: {  	s3 =	sld [smem:$0x3FAF]  }
0x31: {  	[smem:$0x3FB8] =	sst s10  }
0x32: {  	s10 =	sld [smem:$0x3FB6];
	_ =	sdelay $0x3  }
0x33: {  	p0 =	seq.s32 s10, $0x1;
	s10 =	sld [smem:$0x3FB8];
	_ =	sdelay $0x3  }
0x34: {  	[smem:$0x3FB8] =	sst s10  }
0x35: {  	s10 =	sld [smem:$0x3FB7];
	_ =	sdelay $0x3  }
0x36: {  	p1 =	seq.s32 s10, $0x1;
	s10 =	sld [smem:$0x3FB8];
	_ =	sdelay $0x3  }
0x37: {  	[smem:$0x3FB8] =	sst s10  }
0x38: {  	s10 =	sld [smem:$0x3FB9]  }
0x39: {  	_ = 	snop;
	(pc) =	sbr.ind lr, $3  }
0x3a: {  	_ = 	snop  }
0x3b: {  	_ = 	snop  }
0x3c: {  	p2 =	seq.s32 s10, $0x1;
	s10 =	sld [smem:$0x3FB8]  }
0x3d: {  	_ =	shalt  }
0x3e: {  	_ =	shalt  }
0x3f: {  	_ =	shalt  }
0x40: {  	_ =	shalt  }
0x41: {  	_ =	shalt  }
0x42: {  	_ =	shalt  }
0x43: {  	_ =	shalt  }
0x44: {  	_ =	shalt  }
0x45: {  	_ =	shalt  }
0x46: {  	_ =	shalt  }
0x47: {  	_ =	shalt  }
0x48: {  	_ =	shalt  }
0x49: {  	_ =	shalt  }
0x4a: {  	_ =	shalt  }
0x4b: {  	_ =	shalt  }
0x4c: {  	_ =	shalt  }
0x4d: {  	_ =	shalt  }
0x4e: {  	_ =	shalt  }
0x4f: {  	_ =	shalt  }
0x50: {  	_ =	shalt  }
0x51: {  	_ =	shalt  }
0x52: {  	_ =	shalt  }
0x53: {  	_ =	shalt  }
0x54: {  	_ =	shalt  }
0x55: {  	_ =	shalt  }
0x56: {  	_ =	shalt  }
0x57: {  	_ =	shalt  }
0x58: {  	_ =	shalt  }
0x59: {  	_ =	shalt  }
0x5a: {  	_ =	shalt  }
0x5b: {  	_ =	shalt  }
0x5c: {  	_ =	shalt  }
0x5d: {  	_ =	shalt  }
0x5e: {  	_ =	shalt  }
0x5f: {  	_ =	shalt  }
0x60: {  	_ =	shalt  }
0x61: {  	_ =	shalt  }
0x62: {  	_ =	shalt  }
0x63: {  	_ =	shalt  }
0x64: {  	_ =	shalt  }
0x65: {  	_ =	shalt  }
0x66: {  	_ =	shalt  }
0x67: {  	_ =	shalt  }
0x68: {  	_ =	shalt  }
0x69: {  	_ =	shalt  }
0x6a: {  	_ =	shalt  }
0x6b: {  	_ =	shalt  }
0x6c: {  	_ =	shalt  }
0x6d: {  	_ =	shalt  }
0x6e: {  	_ =	shalt  }
0x6f: {  	_ =	shalt  }
0x70: {  	_ =	shalt  }
0x71: {  	_ =	shalt  }
0x72: {  	_ =	shalt  }
0x73: {  	_ =	shalt  }
0x74: {  	_ =	shalt  }
0x75: {  	_ =	shalt  }
0x76: {  	_ =	shalt  }
0x77: {  	_ =	shalt  }
0x78: {  	_ =	shalt  }
0x79: {  	_ =	shalt  }
0x7a: {  	_ =	shalt  }
0x7b: {  	_ =	shalt  }
0x7c: {  	_ =	shalt  }
0x7d: {  	_ =	shalt  }
0x7e: {  	_ =	shalt  }
0x7f: {  	_ =	shalt  }
0x80: {  	_ =	shalt  }
0x81: {  	_ =	shalt  }
0x82: {  	_ =	shalt  }
0x83: {  	_ =	shalt  }
0x84: {  	_ =	shalt  }
0x85: {  	_ =	shalt  }
0x86: {  	_ =	shalt  }
0x87: {  	_ =	shalt  }
.Lfunc_end0:
.L_simem_size_0:
called_computation_lowered:
.L_overlay_start_0:
0x88: {  	s2 =	sld [smem:$0x3FD9]  }
0x89: {  	s3 =	sld [smem:$0x3FFE];
	_ =	sdelay $0x1  }
0x8a: {  	s1 =	srdreg.scid  }
0x8b: {  	s0 =	sand.u32 $0x1, s1  }
0x8c: {  	s17 =	sshll.u32 s0, $0xA;
	s2 =	sadd.s32 s3, s2  }
0x8d: {  	s2 =	sadd.s32 s2, s17  }
0x8e: {  	[smem:$0x3FC4] =	sst s2  }
0x8f: {  	_ = 	snop  }
0x90: {  	s2 =	sld [smem:$0x3FC8]  }
0x91: {  	s18 =	sld [smem:$0x3FD0];
	(tm) =	ssettm $0x1  }
0x92: {  	s4 =	sld [smem:$0x3FFB];
	_ =	sdelay $0x3  }
0x93: {  	_ =	strace s4  }
0x94: {  	s4 =	sld [smem:$0x3FFC];
	_ =	sdelay $0x3  }
0x95: {  	_ =	strace s4  }
0x96: {  	s4 =	sld [smem:$0x3FFD];
	_ =	sdelay $0x3  }
0x97: {  	_ =	strace s4  }
0x98: {  	_ =	strace $0x8FFFFFFF  }
0x99: {  	s19 =	sld [smem:$0x3FDB];
	_ =	sdelay $0x1  }
0x9a: {  	s5 =	simm.s32 $_scs_section_size  }
0x9b: {  	s6 =	simm.s32 $_size__tile_overlayer_lowered;
	s7 =	simm.s32 $_tile_overlayer_lowered  }
0x9c: {  	s22 =	simm.s32 $0x1BFF;
	s21 =	sshll.u32 s7, $0x1;
	s4 =	sadd.s32 s5, s19  }
0x9d: {  	s8 =	simm.s32 $0x0;
	s20 =	sshll.u32 s6, $0x1;
	s6 =	sadd.s32 s21, s4  }
0x9e: {  	[timem:s8], [sflag:s22] =	dma.local [hbm:s6], s20  }
0x9f: {  	_ =	swait.ge [sflag:s22], s20  }
0xa0: {  	s5 =	ssub.s32 $0x0, s20;
	[sflag:s22] =	ssyncset.done $0x0  }
0xa1: {  	[sflag:s22] =	ssyncadd.s32 s5;
	_ =	sdelay $0x1  }
0xa2: {  	s23 =	simm.s32 $0x1B8B  }
0xa3: {  	_ =	swait.ge [sflag:s23], $0x1  }
0xa4: {  	[sflag:s23] =	ssyncset.done $0x0  }
0xa5: {  	s25 =	simm.s32 $0x1B8E;
	s24 =	sld [smem:$0x3FFE];
	[sflag:s23] =	ssyncadd.s32 $0xFFFFFFFF  }
0xa6: {  	s26 =	simm.s32 $execute0_lowered;
	[smem:$0x3FD2] =	sst s25  }
0xa7: {  	s6 =	sshll.u32 s26, $0x1;
	_ =	strace $0x80000046;
	[dreg:$0x1] =	wrdreg $0xFFFFFFFF  }
0xa8: {  	s28 =	simm.s32 $_size_execute0_lowered;
	s4 =	sadd.s32 s4, s6;
	[dreg:$0x0] =	wrdreg $0x0  }
0xa9: {  	s6 =	sshll.u32 s28, $0x1;
	[dreg:$0x2] =	wrdreg s4  }
0xaa: {  	[dreg:$0x3] =	wrdreg s6  }
0xab: {  	[dreg:$0x4] =	wrdreg $0xC0  }
0xac: {  	_ =	task [dreg:s8], $0x5FFFF  }
0xad: {  	[dreg:$0x1] =	wrdreg $0xFFFFFFFF  }
0xae: {  	[dreg:$0x0] =	wrdreg $0x60  }
0xaf: {  	[dreg:$0x2] =	wrdreg s24  }
0xb0: {  	[dreg:$0x3] =	wrdreg s2  }
0xb1: {  	[dreg:$0x4] =	wrdreg s18  }
0xb2: {  	[dreg:$0x5] =	wrdreg $0x196700  }
0xb3: {  	[dreg:$0x6] =	wrdreg $0x1AEE00  }
0xb4: {  	[dreg:$0x7] =	wrdreg $0x17E000  }
0xb5: {  	[dreg:$0x8] =	wrdreg $0x9  }
0xb6: {  	_ =	task.clear_ibuf [dreg:s8], $0x9FFFF;
	_ =	strace $0x90000046  }
0xb7: {  	s29 =	simm.s32 $0x9;
	_ =	strace $0x80000048  }
0xb8: {  	_ =	swait.ge [sflag:s29], $0x1  }
0xb9: {  	[sflag:s29] =	ssyncadd.s32 $0xFFFFFFFF  }
0xba: {  	_ =	strace $0x90000048  }
0xbb: {  	_ =	sfence  }
0xbc: {  	s30 =	sld [smem:$0x0];
	_ =	sdelay $0x2  }
0xbd: {  	s31 =	sshll.u32 s1, $0xD;
	s1 =	sshrl.u32 s1, $0x2  }
0xbe: {  	s3 =	sand.u32 $0x4000, s31;
	s1 =	sadd.s32 s1, s30  }
0xbf: {  	s0 =	sor.u32 s3, s0;
	s1 =	sshll.u32 s1, $0x11  }
0xc0: {  	s0 =	sor.u32 s1, s0  }
0xc1: {  	s0 =	sadd.s32 $0x8F2B, s0  }
0xc2: {  	[sflag:s0] =	ssyncadd.remote.s32 $0x1  }
0xc3: {  	_ =	sfence.sel $0xFFFF  }
0xc4: {  	[dreg:$0x0] =	wrdreg $0xFFFFFFFF;
	(pc) =	sbr.abs _section_cstart, $3  }
0xc5: {  	[dreg:$0x1] =	wrdreg $0xFFFFFFFF  }
0xc6: {  	_ =	task.clear_ibuf [dreg:s8], $0x2FFFF;
	_ =	strace $0x9FFFFFFF  }
0xc7: {  	(tm) =	ssettm $0x7FFFFFFF  }
tec
execute0_lowered:
.L_overlay_start_1:
0x0: {  	(tag) =	ssettag $0x1  }
0x1: {  	s0 =	rddreg [dreg:$0x0]  }
0x2: {  	s1 =	rddreg [dreg:$0x1]  }
0x3: {  	s3 =	rddreg [dreg:$0x2]  }
0x4: {  	s2 =	rddreg [dreg:$0x3]  }
0x5: {  	s4 =	rddreg [dreg:$0x4]  }
0x6: {  	s5 =	rddreg [dreg:$0x5]  }
0x7: {  	s7 =	simm.s32 $0x0;
	s11 =	stileid.u32;
	s6 =	srdreg.scid  }
0x8: {  	s28 =	simm.s32 $0x2380;
	s29 =	simm.s32 $0x4;
	s30 =	simm.s32 $0x1  }
0x9: {  	s31 =	simm.s32 $0xB180;
	s17 =	simm.s32 $0x6A80;
	[smem:$0x7FF] =	sst s7  }
0xa: {  	s9 =	smul.u32 $0x1870, s11;
	s6 =	sand.u32 $0x1, s6;
	_ =	strace $0x80000047  }
0xb: {  	s18 =	sshll.u32 s6, $0x4;
	s10 =	ssub.s32 $0x2, s6;
	s13 =	smul.u32 $0x18700, s6  }
0xc: {  	p0 =	sne.s32 s6, $0x0;
	s8 =	sshrl.u32 s9, $0x3;
	s11 =	sor.u32 s11, s18  }
0xd: {  	s19 =	sshrl.u32 s10, $0x1;
	s7 =	sadd.s32 s9, s2;
	s20 =	sadd.s32 s9, s5  }
0xe: {  	s18 =	simm.s32 $0xF880;
	s0 =	sadd.s32 s8, s0;
	s12 =	smul.u32 $0x61A, s11  }
0xf: {  	s10 =	ssub.s32 s10, s19;
	s11 =	smin.u32 s11, $0x10;
	s8 =	sadd.s32 s9, s4  }
0x10: {  	[dreg:$0x8] =	wrdreg s20;
	s9 =	sadd.s32 s9, s13;
	s13 =	simm.s32 $0x0  }
0x11: {  	s0 =	sadd.s32 $0x200, s0;
	s9 =	sshrl.u32 s9, $0x3;
	s26 =	smax.u32 s10, $0x1  }
0x12: {  	s10 =	simm.s32 $0x2;
	s12 =	sadd.s32 s11, s12;
	[dreg:$0x7] =	wrdreg s0  }
0x13: {  	s3 =	sadd.s32 s3, s9;
	[dreg:$0xf] =	wrdreg s26;
	s26 =	simm.s32 $0x4700  }
0x14: {  	s9 =	simm.s32 $0x13F80;
	s11 =	sshll.u32 s12, $0x7;
	s21 =	sshll.u32 s12, $0x5  }
0x15: {  	s12 =	sadd.s32 $0x10, s1;
	[dreg:$0xb] =	wrdreg s3;
	s25 =	sadd.s32 $0x61C0, s3  }
0x16: {  	s3 =	simm.s32 $0x11C00;
	s22 =	sadd.s32 s1, s21;
	s23 =	sadd.s32 s21, s12  }
.Ltmp0:
0x17: {  	s15 =	sadd.s32 $0x2380, s11;
	[dreg:$0xe] =	wrdreg s25;
	(pc) =	sbr.rel .LBB2_1-.Ltmp0, $4  }
0x18: {  	s0 =	sadd.s32 $0xC340, s21;
	s21 =	simm.s32 $0x16580;
	[dreg:$0x9] =	wrdreg s22  }
0x19: {  	s25 =	simm.s32 $0x100;
	[dreg:$0xa] =	wrdreg s23;
	s24 =	sadd.s32 s1, s0  }
0x1a: {  	s0 =	sadd.s32 s0, s12;
	s22 =	simm.s32 $0x3;
	[dreg:$0xc] =	wrdreg s24  }
0x1b: {  	v0 =	vimm.f32 $0.0e+00;
	[dreg:$0xd] =	wrdreg s0;
	s24 =	simm.s32 $0x80;
	s0 =	simm.s32 $0xD500  }
.LBB2_12:
0x1c: {  	[bflag:$0x0] =	sbarrier.arrive $0xFFFF  }
0x1d: {  	[tilespmem:s21], [sflag:$0x3] =	stream.linear.gather [spmem:s7], $0x1870, $0x38;
	[tilespmem:$0x1C750] =	vst v63  }
0x1e: {  	_ =	swait.ge [sflag:s22], $0x1870  }
0x1f: {  	[sflag:s22] =	ssyncset.done $0x0  }
0x20: {  	s6 =	simm.s32 $0x0;
	s14 =	rddreg [dreg:$0xb];
	[sflag:s22] =	ssyncadd.s32 $0xFFFFE790  }
0x21: {  	[hbm4b:s14+s6] =	stream.linear.scatter [tilespmem:s21], [sflag:$0x3], $0x1870, $0x38;
	[tilespmem:$0x1C750] =	vst v63  }
0x22: {  	_ =	swait.ge [sflag:s22], $0x1870  }
0x23: {  	[sflag:s22] =	ssyncset.done $0x0  }
0x24: {  	[sflag:s22] =	ssyncadd.s32 $0xFFFFE790  }
0x25: {  	[tilespmem:s21], [sflag:$0x3] =	stream.linear.gather [spmem:s8], $0x1870, $0x38;
	[tilespmem:$0x1C750] =	vst v63  }
0x26: {  	_ =	swait.ge [sflag:s22], $0x1870  }
0x27: {  	[sflag:s22] =	ssyncset.done $0x0  }
0x28: {  	s20 =	rddreg [dreg:$0xe];
	[sflag:s22] =	ssyncadd.s32 $0xFFFFE790  }
0x29: {  	[hbm4b:s20+s6] =	stream.linear.scatter [tilespmem:s21], [sflag:$0x3], $0x1870, $0x38;
	[tilespmem:$0x1C750] =	vst v63  }
0x2a: {  	_ =	swait.ge [sflag:s22], $0x1870  }
0x2b: {  	s13 =	sadd.s32 $0x1, s13;
	s23 =	rddreg [dreg:$0xf]  }
0x2c: {  	p1 =	sne.s32 s13, s23  }
.Ltmp1:
0x2d: {  	_ = 	snop;
	(pc) =	sbr.rel @!p1 .LBB2_13-.Ltmp1, $3  }
0x2e: {  	_ =	sdelay $0x1  }
0x2f: {  	[sflag:s22] =	ssyncset.done $0x0  }
0x30: {  	[sflag:s22] =	ssyncadd.s32 $0xFFFFE790  }
.LBB2_1:
0x31: {  	s6 =	simm.s32 $0x40;
	s14 =	simm.s32 $0x0  }
.LBB2_2:
0x32: {  	p1 =	sne.s32 s6, $0x6180;
	[tilespmem:s14+$0x16580] =	vst v0;
	s14 =	smov.u32 s6;
	s6 =	sadd.s32 $0x40, s6  }
.Ltmp2:
0x33: {  	(pc) =	sbr.rel @p1 .LBB2_2-.Ltmp2, $2  }
0x34: {  	_ =	sdelay $0x2  }
0x35: {  	s14 =	sshra.s32 s14, $0x2  }
0x36: {  	[tilespmem:s14+$0x16580] =	vst v0  }
0x37: {  	[spmem:s7] =	stream.linear.scatter [tilespmem:s21], [sflag:$0x3], $0x1870, $0x38;
	[tilespmem:$0x1C750] =	vst v63  }
0x38: {  	_ =	swait.ge [sflag:s22], $0x1870  }
0x39: {  	[sflag:s22] =	ssyncset.done $0x0  }
0x3a: {  	[sflag:s22] =	ssyncadd.s32 $0xFFFFE790  }
0x3b: {  	[spmem:s8] =	stream.linear.scatter [tilespmem:s21], [sflag:$0x3], $0x1870, $0x38;
	[tilespmem:$0x1C750] =	vst v63  }
0x3c: {  	_ =	swait.ge [sflag:s22], $0x1870  }
0x3d: {  	s14 =	simm.s32 $0x0;
	[sflag:s22] =	ssyncset.done $0x0  }
0x3e: {  	s16 =	simm.s32 $0x8E00;
	s6 =	rddreg [dreg:$0x7];
	[sflag:s22] =	ssyncadd.s32 $0xFFFFE790  }
0x3f: {  	[tilespmem:s16], [sflag:$0x3] =	stream.linear.gather [hbm4b:s6+s14], $0x1870, $0x38;
	[tilespmem:$0x1C750] =	vst v63  }
0x40: {  	_ =	swait.ge [sflag:s22], $0x1870  }
0x41: {  	[sflag:s22] =	ssyncset.done $0x0  }
0x42: {  	s19 =	rddreg [dreg:$0x8];
	[sflag:s22] =	ssyncadd.s32 $0xFFFFE790  }
0x43: {  	[spmem:s19] =	stream.linear.scatter [tilespmem:s16], [sflag:$0x3], $0x1870, $0x38;
	[tilespmem:$0x1C750] =	vst v63  }
0x44: {  	_ =	swait.ge [sflag:s22], $0x1870  }
0x45: {  	[sflag:s22] =	ssyncset.done $0x0  }
0x46: {  	[sflag:s22] =	ssyncadd.s32 $0xFFFFE790  }
0x47: {  	[bflag:$0x0] =	sbarrier.arrive $0xFFFF  }
0x48: {  	s20 =	rddreg [dreg:$0x9]  }
0x49: {  	[tilespmem:s14], [sflag:$0x3] =	stream.strided.gather [hbm4b:s20+s24], $0x2380, s25, s24, $0x38;
	[tilespmem:$0x1C750] =	vst v63  }
0x4a: {  	_ =	swait.ge [sflag:s22], $0x2380  }
0x4b: {  	[sflag:s22] =	ssyncset.done $0x0  }
0x4c: {  	s23 =	rddreg [dreg:$0xa];
	[sflag:s22] =	ssyncadd.s32 $0xFFFFDC80  }
0x4d: {  	[tilespmem:s26], [sflag:$0x3] =	stream.strided.gather [hbm4b:s23+s24], $0x2380, s25, s24, $0x38;
	[tilespmem:$0x1C750] =	vst v63  }
0x4e: {  	_ =	swait.ge [sflag:s22], $0x2380  }
0x4f: {  	[sflag:s22] =	ssyncset.done $0x0  }
0x50: {  	[sflag:s22] =	ssyncadd.s32 $0xFFFFDC80  }
0x51: {  	[tilespmem:s16], [sflag:$0x1] =	stream.indirect.gather [spmem:s5], $0x1, s14, s28, $0xb8;
	[tilespmem:$0x1C750] =	vst v63  }
.LBB2_4:
0x52: {  	s6 =	smul.u32 $0x4700, s14;
	_ =	sdelay $0x1  }
0x53: {  	s6 =	sadd.s32 s6, s15  }
0x54: {  	s19 =	sshrl.u32 s6, $0x2  }
0x55: {  	s6 =	sadd.s32 s1, s19  }
0x56: {  	[tilespmem:s28], [sflag:$0x4] =	stream.strided.gather [hbm4b:s6+s24], $0x2380, s25, s24, $0x38;
	[tilespmem:$0x1C750] =	vst v63  }
0x57: {  	_ =	swait.ge [sflag:s29], $0x2380  }
0x58: {  	[sflag:s29] =	ssyncset.done $0x0  }
0x59: {  	[sflag:s29] =	ssyncadd.s32 $0xFFFFDC80  }
0x5a: {  	_ =	swait.ge [sflag:s30], $0x2380  }
0x5b: {  	[sflag:s30] =	ssyncset.done $0x0  }
0x5c: {  	s16 =	simm.s32 $0x0;
	[sflag:s30] =	ssyncadd.s32 $0xFFFFDC80  }
0x5d: {  	[tilespmem:s31], [sflag:$0x1] =	stream.indirect.gather [spmem:s5], $0x1, s28, s28, $0xb8;
	[tilespmem:$0x1C750] =	vst v63  }
0x5e: {  	v1 =	vld [tilespmem:s16+$0x8E10]  }
0x5f: {  	v3 =	vld [tilespmem:s16+$0x8E30]  }
0x60: {  	v4 =	vld [tilespmem:s16+$0x8E00];
	_ =	sdelay $0x2  }
0x61: {  	v5 =	vld [tilespmem:s16+$0x8E20]  }
0x62: {  	s20 =	simm.s32 $0x40;
	v2 =	vshll.u32 v1, $0x10;
	v1 =	vshra.s32 v1, $0x10;
	v6 =	vshll.u32 v3, $0x10  }
0x63: {  	v10 =	vld [tilespmem:s20+$0x8E10];
	v8 =	vshra.s32 v4, $0x10;
	v3 =	vshra.s32 v3, $0x10;
	v2 =	vshra.s32 v2, $0x10  }
0x64: {  	v4 =	vshll.u32 v4, $0x10;
	v8 =	vcvt.s32.f32 v8;
	v7 =	vcvt.s32.f32 v2  }
0x65: {  	v6 =	vshra.s32 v6, $0x10;
	v12 =	vcvt.s32.f32 v3;
	v2 =	vcvt.s32.f32 v1;
	v1 =	vld [tilespmem:s20+$0x8E30]  }
0x66: {  	v9 =	vmul.f32 $6.103515630e-05, v7;
	v7 =	vshll.u32 v5, $0x10;
	v5 =	vshra.s32 v5, $0x10  }
0x67: {  	v4 =	vshra.s32 v4, $0x10;
	v13 =	vmul.f32 $6.103515630e-05, v8;
	v11 =	vcvt.s32.f32 v5;
	v5 =	vld [tilespmem:s20+$0x8E00]  }
0x68: {  	v6 =	vcvt.s32.f32 v6;
	v8 =	vcvt.s32.f32 v4;
	v4 =	vshll.u32 v10, $0x10  }
0x69: {  	v3 =	vld [tilespmem:s20+$0x8E20];
	v12 =	vmul.f32 $6.103515630e-05, v12;
	v63 =	vshra.s32 v4, $0x10;
	v7 =	vshra.s32 v7, $0x10;
	[tilespmem:s16+$0xD500] =	vst v13  }
0x6a: {  	[tilespmem:s16+$0x11C10] =	vst v9;
	v9 =	vmul.f32 $6.103515630e-05, v11;
	v11 =	vshra.s32 v10, $0x10;
	v10 =	vshll.u32 v1, $0x10  }
0x6b: {  	[tilespmem:s16+$0xD530] =	vst v12;
	v7 =	vcvt.s32.f32 v7;
	v4 =	vshra.s32 v10, $0x10;
	v10 =	vmul.f32 $6.103515630e-05, v6  }
0x6c: {  	s6 =	simm.s32 $0x200;
	[tilespmem:s16+$0xD520] =	vst v9;
	v9 =	vcvt.s32.f32 v11;
	v11 =	vcvt.s32.f32 v63;
	v6 =	vshll.u32 v5, $0x10  }
.LBB2_5:
0x6d: {  	s23 =	sshra.s32 s6, $0x2;
	p1 =	sne.s32 s6, $0x8D00;
	s6 =	sadd.s32 $0x100, s6;
	v5 =	vshra.s32 v5, $0x10;
	v12 =	vshra.s32 v1, $0x10;
	v13 =	vmul.f32 $6.103515630e-05, v2  }
0x6e: {  	v14 =	vshll.u32 v3, $0x10;
	v7 =	vmul.f32 $6.103515630e-05, v7;
	v1 =	vld [tilespmem:s23+$0x8E30];
	v11 =	vmul.f32 $6.103515630e-05, v11;
	[tilespmem:s16+$0x11C30] =	vst v10;
	v2 =	vmovc v9  }
0x6f: {  	v3 =	vshra.s32 v3, $0x10;
	v8 =	vmul.f32 $6.103515630e-05, v8;
	v10 =	vcvt.s32.f32 v5;
	v9 =	vld [tilespmem:s23+$0x8E10];
	[tilespmem:s16+$0xD510] =	vst v13  }
0x70: {  	v12 =	vcvt.s32.f32 v12;
	v13 =	vshra.s32 v14, $0x10;
	v14 =	vcvt.s32.f32 v3;
	v5 =	vld [tilespmem:s23+$0x8E00];
	[tilespmem:s16+$0x11C20] =	vst v7  }
0x71: {  	v10 =	vmul.f32 $6.103515630e-05, v10;
	v7 =	vcvt.s32.f32 v13;
	v3 =	vld [tilespmem:s23+$0x8E20];
	[tilespmem:s16+$0x11C00] =	vst v8;
	s16 =	smov.u32 s20;
	s20 =	smov.u32 s23  }
.Ltmp3:
0x72: {  	v6 =	vshra.s32 v6, $0x10;
	[tilespmem:s16+$0x11C10] =	vst v11;
	v11 =	vmul.f32 $6.103515630e-05, v12;
	v12 =	vcvt.s32.f32 v4;
	(pc) =	sbr.rel @p1 .LBB2_5-.Ltmp3, $4  }
0x73: {  	v8 =	vcvt.s32.f32 v6;
	v6 =	vmul.f32 $6.103515630e-05, v14;
	[tilespmem:s16+$0xD500] =	vst v10  }
0x74: {  	v13 =	vshra.s32 v9, $0x10;
	v4 =	vshll.u32 v9, $0x10;
	v9 =	vshll.u32 v1, $0x10;
	[tilespmem:s16+$0xD530] =	vst v11  }
0x75: {  	v10 =	vmul.f32 $6.103515630e-05, v12;
	v11 =	vshra.s32 v4, $0x10;
	v4 =	vshra.s32 v9, $0x10;
	[tilespmem:s16+$0xD520] =	vst v6  }
0x76: {  	v6 =	vshll.u32 v5, $0x10;
	v9 =	vcvt.s32.f32 v13;
	v11 =	vcvt.s32.f32 v11  }
0x77: {  	v2 =	vmul.f32 $6.103515630e-05, v2  }
0x78: {  	v5 =	vshra.s32 v5, $0x10;
	v7 =	vmul.f32 $6.103515630e-05, v7;
	[tilespmem:s16+$0x11C30] =	vst v10;
	v1 =	vshra.s32 v1, $0x10  }
0x79: {  	v8 =	vmul.f32 $6.103515630e-05, v8;
	v10 =	vshra.s32 v3, $0x10;
	v5 =	vcvt.s32.f32 v5;
	[tilespmem:s16+$0xD510] =	vst v2  }
0x7a: {  	v3 =	vshll.u32 v3, $0x10;
	v1 =	vcvt.s32.f32 v1;
	v2 =	vmul.f32 $6.103515630e-05, v11;
	[tilespmem:s16+$0x11C20] =	vst v7  }
0x7b: {  	v3 =	vshra.s32 v3, $0x10;
	v7 =	vcvt.s32.f32 v10;
	[tilespmem:s16+$0x11C00] =	vst v8;
	v5 =	vmul.f32 $6.103515630e-05, v5  }
0x7c: {  	v3 =	vcvt.s32.f32 v3;
	v1 =	vmul.f32 $6.103515630e-05, v1;
	[tilespmem:s20+$0x11C10] =	vst v2  }
0x7d: {  	v2 =	vcvt.s32.f32 v4;
	v4 =	vmul.f32 $6.103515630e-05, v7;
	[tilespmem:s20+$0xD500] =	vst v5  }
0x7e: {  	v3 =	vmul.f32 $6.103515630e-05, v3;
	v5 =	vshra.s32 v6, $0x10;
	[tilespmem:s20+$0xD530] =	vst v1  }
0x7f: {  	v1 =	vmul.f32 $6.103515630e-05, v2;
	v2 =	vcvt.s32.f32 v5;
	[tilespmem:s20+$0xD520] =	vst v4  }
0x80: {  	v4 =	vmul.f32 $6.103515630e-05, v9;
	[tilespmem:s20+$0x11C20] =	vst v3  }
0x81: {  	[tilespmem:s20+$0x11C30] =	vst v1;
	v1 =	vmul.f32 $6.103515630e-05, v2  }
0x82: {  	[tilespmem:s20+$0xD510] =	vst v4  }
0x83: {  	p1 =	seq.s32 s14, $0x0;
	[tilespmem:s20+$0x11C00] =	vst v1  }
0x84: {  	[spmem:s2] =	stream.indirect.scatter.add.f32 [tilespmem:s0], [sflag:$0x2], $0x1, s26, s28, $0xb8;
	[tilespmem:$0x1C750] =	vst v63  }
0x85: {  	s6 =	simm.s32 @!p1 $0x2  }
0x86: {  	[spmem:s4] =	stream.indirect.scatter.add.f32 [tilespmem:s3], [sflag:$0x2], $0x1, s26, s28, $0xb8;
	[tilespmem:$0x1C750] =	vst v63  }
0x87: {  	_ =	swait.ge @!p1 [sflag:s6], $0x2380  }
0x88: {  	[sflag:s6] =	ssyncset.done @!p1 $0x0  }
0x89: {  	[sflag:s6] =	ssyncadd.s32 @!p1 $0xFFFFDC80  }
0x8a: {  	_ =	swait.ge @!p1 [sflag:s6], $0x2380  }
0x8b: {  	[sflag:s6] =	ssyncset.done @!p1 $0x0  }
0x8c: {  	s23 =	sadd.s32 s19, s12;
	s20 =	sshll.u32 s14, $0x1;
	[sflag:s6] =	ssyncadd.s32 @!p1 $0xFFFFDC80  }
0x8d: {  	[tilespmem:s17], [sflag:$0x4] =	stream.strided.gather [hbm4b:s23+s24], $0x2380, s25, s24, $0x38;
	[tilespmem:$0x1C750] =	vst v63  }
0x8e: {  	s19 =	sadd.s32 $0x2, s20;
	p1 =	seq.s32 s14, $0xA;
	_ =	swait.ge [sflag:s29], $0x2380  }
0x8f: {  	s6 =	smul.u32 @!p1 $0x2380, s19;
	[sflag:s29] =	ssyncset.done $0x0  }
0x90: {  	s16 =	simm.s32 @p1 $0x1;
	[sflag:s29] =	ssyncadd.s32 $0xFFFFDC80  }
0x91: {  	s20 =	simm.s32 @!p1 $0x100;
	s6 =	sadd.s32 @!p1 s11, s6;
	_ =	swait.ge @p1 [sflag:s16], $0x2380  }
0x92: {  	s23 =	simm.s32 @!p1 $0x0;
	s6 =	sshrl.u32 @!p1 s6, $0x2;
	[sflag:s16] =	ssyncset.done @p1 $0x0  }
0x93: {  	s6 =	sadd.s32 @!p1 s1, s6;
	[sflag:s16] =	ssyncadd.s32 @p1 $0xFFFFDC80;
	s16 =	simm.s32 @!p1 $0x80  }
0x94: {  	[tilespmem:s23], [sflag:$0x4] =	stream.strided.gather @!p1 [hbm4b:s6+s16], $0x2380, s20, s16, $0x38;
	[tilespmem:$0x1C750] =	vst v63  }
0x95: {  	s6 =	simm.s32 @!p1 $0x4  }
0x96: {  	_ =	swait.ge @!p1 [sflag:s6], $0x2380  }
0x97: {  	[sflag:s6] =	ssyncset.done @!p1 $0x0  }
0x98: {  	[sflag:s6] =	ssyncadd.s32 @!p1 $0xFFFFDC80;
	s6 =	simm.s32 @!p1 $0x1  }
0x99: {  	_ =	swait.ge @!p1 [sflag:s6], $0x2380  }
0x9a: {  	[sflag:s6] =	ssyncset.done @!p1 $0x0  }
0x9b: {  	s16 =	simm.s32 @!p1 $0x8E00;
	[sflag:s6] =	ssyncadd.s32 @!p1 $0xFFFFDC80;
	s6 =	simm.s32 @!p1 $0x2380  }
0x9c: {  	[tilespmem:s16], [sflag:$0x1] =	stream.indirect.gather @!p1 [spmem:s5], $0x1, s23, s6, $0xb8;
	[tilespmem:$0x1C750] =	vst v63  }
0x9d: {  	s16 =	simm.s32 $0x0  }
0x9e: {  	v1 =	vld [tilespmem:s16+$0xB190]  }
0x9f: {  	v3 =	vld [tilespmem:s16+$0xB1B0]  }
0xa0: {  	v4 =	vld [tilespmem:s16+$0xB180];
	_ =	sdelay $0x2  }
0xa1: {  	v5 =	vld [tilespmem:s16+$0xB1A0]  }
0xa2: {  	s20 =	simm.s32 $0x40;
	v2 =	vshll.u32 v1, $0x10;
	v1 =	vshra.s32 v1, $0x10;
	v6 =	vshll.u32 v3, $0x10  }
0xa3: {  	v10 =	vld [tilespmem:s20+$0xB190];
	v8 =	vshra.s32 v4, $0x10;
	v3 =	vshra.s32 v3, $0x10;
	v2 =	vshra.s32 v2, $0x10  }
0xa4: {  	v4 =	vshll.u32 v4, $0x10;
	v8 =	vcvt.s32.f32 v8;
	v7 =	vcvt.s32.f32 v2  }
0xa5: {  	v6 =	vshra.s32 v6, $0x10;
	v12 =	vcvt.s32.f32 v3;
	v2 =	vcvt.s32.f32 v1;
	v1 =	vld [tilespmem:s20+$0xB1B0]  }
0xa6: {  	v9 =	vmul.f32 $6.103515630e-05, v7;
	v7 =	vshll.u32 v5, $0x10;
	v5 =	vshra.s32 v5, $0x10  }
0xa7: {  	v4 =	vshra.s32 v4, $0x10;
	v13 =	vmul.f32 $6.103515630e-05, v8;
	v11 =	vcvt.s32.f32 v5;
	v5 =	vld [tilespmem:s20+$0xB180]  }
0xa8: {  	v6 =	vcvt.s32.f32 v6;
	v8 =	vcvt.s32.f32 v4;
	v4 =	vshll.u32 v10, $0x10  }
0xa9: {  	v3 =	vld [tilespmem:s20+$0xB1A0];
	v12 =	vmul.f32 $6.103515630e-05, v12;
	v63 =	vshra.s32 v4, $0x10;
	v7 =	vshra.s32 v7, $0x10;
	[tilespmem:s16+$0xF880] =	vst v13  }
0xaa: {  	[tilespmem:s16+$0x13F90] =	vst v9;
	v9 =	vmul.f32 $6.103515630e-05, v11;
	v11 =	vshra.s32 v10, $0x10;
	v10 =	vshll.u32 v1, $0x10  }
0xab: {  	[tilespmem:s16+$0xF8B0] =	vst v12;
	v7 =	vcvt.s32.f32 v7;
	v4 =	vshra.s32 v10, $0x10;
	v10 =	vmul.f32 $6.103515630e-05, v6  }
0xac: {  	s6 =	simm.s32 $0x200;
	[tilespmem:s16+$0xF8A0] =	vst v9;
	v9 =	vcvt.s32.f32 v11;
	v11 =	vcvt.s32.f32 v63;
	v6 =	vshll.u32 v5, $0x10  }
.LBB2_7:
0xad: {  	s23 =	sshra.s32 s6, $0x2;
	p2 =	sne.s32 s6, $0x8D00;
	s6 =	sadd.s32 $0x100, s6;
	v5 =	vshra.s32 v5, $0x10;
	v12 =	vshra.s32 v1, $0x10;
	v13 =	vmul.f32 $6.103515630e-05, v2  }
0xae: {  	v14 =	vshll.u32 v3, $0x10;
	v7 =	vmul.f32 $6.103515630e-05, v7;
	v1 =	vld [tilespmem:s23+$0xB1B0];
	v11 =	vmul.f32 $6.103515630e-05, v11;
	[tilespmem:s16+$0x13FB0] =	vst v10;
	v2 =	vmovc v9  }
0xaf: {  	v3 =	vshra.s32 v3, $0x10;
	v8 =	vmul.f32 $6.103515630e-05, v8;
	v10 =	vcvt.s32.f32 v5;
	v9 =	vld [tilespmem:s23+$0xB190];
	[tilespmem:s16+$0xF890] =	vst v13  }
0xb0: {  	v12 =	vcvt.s32.f32 v12;
	v13 =	vshra.s32 v14, $0x10;
	v14 =	vcvt.s32.f32 v3;
	v5 =	vld [tilespmem:s23+$0xB180];
	[tilespmem:s16+$0x13FA0] =	vst v7  }
0xb1: {  	v10 =	vmul.f32 $6.103515630e-05, v10;
	v7 =	vcvt.s32.f32 v13;
	v3 =	vld [tilespmem:s23+$0xB1A0];
	[tilespmem:s16+$0x13F80] =	vst v8;
	s16 =	smov.u32 s20;
	s20 =	smov.u32 s23  }
.Ltmp4:
0xb2: {  	v6 =	vshra.s32 v6, $0x10;
	[tilespmem:s16+$0x13F90] =	vst v11;
	v11 =	vmul.f32 $6.103515630e-05, v12;
	v12 =	vcvt.s32.f32 v4;
	(pc) =	sbr.rel @p2 .LBB2_7-.Ltmp4, $4  }
0xb3: {  	v8 =	vcvt.s32.f32 v6;
	v6 =	vmul.f32 $6.103515630e-05, v14;
	[tilespmem:s16+$0xF880] =	vst v10  }
0xb4: {  	v13 =	vshra.s32 v9, $0x10;
	v4 =	vshll.u32 v9, $0x10;
	v9 =	vshll.u32 v1, $0x10;
	[tilespmem:s16+$0xF8B0] =	vst v11  }
0xb5: {  	v10 =	vmul.f32 $6.103515630e-05, v12;
	v11 =	vshra.s32 v4, $0x10;
	v4 =	vshra.s32 v9, $0x10;
	[tilespmem:s16+$0xF8A0] =	vst v6  }
0xb6: {  	v6 =	vshll.u32 v5, $0x10;
	v9 =	vcvt.s32.f32 v13;
	v11 =	vcvt.s32.f32 v11  }
0xb7: {  	v2 =	vmul.f32 $6.103515630e-05, v2  }
0xb8: {  	v7 =	vmul.f32 $6.103515630e-05, v7;
	[tilespmem:s16+$0x13FB0] =	vst v10  }
0xb9: {  	v5 =	vshra.s32 v5, $0x10;
	v8 =	vmul.f32 $6.103515630e-05, v8;
	[tilespmem:s16+$0xF890] =	vst v2  }
0xba: {  	v1 =	vshra.s32 v1, $0x10;
	v5 =	vcvt.s32.f32 v5;
	v63 =	vmul.f32 $6.103515630e-05, v9;
	[tilespmem:s16+$0x13FA0] =	vst v7  }
0xbb: {  	v59 =	vshra.s32 v3, $0x10;
	v1 =	vcvt.s32.f32 v1;
	v2 =	vmul.f32 $6.103515630e-05, v11;
	[tilespmem:s16+$0x13F80] =	vst v8  }
0xbc: {  	v3 =	vshll.u32 v3, $0x10;
	v60 =	vcvt.s32.f32 v59;
	v5 =	vmul.f32 $6.103515630e-05, v5;
	[tilespmem:s20+$0xF890] =	vst v63  }
0xbd: {  	v3 =	vshra.s32 v3, $0x10;
	v1 =	vmul.f32 $6.103515630e-05, v1;
	[tilespmem:s20+$0x13F90] =	vst v2;
	v2 =	vcvt.s32.f32 v4  }
0xbe: {  	v62 =	vshra.s32 v6, $0x10;
	v3 =	vcvt.s32.f32 v3;
	v61 =	vmul.f32 $6.103515630e-05, v60;
	[tilespmem:s20+$0xF880] =	vst v5  }
0xbf: {  	[tilespmem:s20+$0xF8B0] =	vst v1;
	v1 =	vmul.f32 $6.103515630e-05, v2;
	v2 =	vcvt.s32.f32 v62  }
0xc0: {  	v3 =	vmul.f32 $6.103515630e-05, v3;
	[tilespmem:s20+$0xF8A0] =	vst v61  }
0xc1: {  	[tilespmem:s20+$0x13FB0] =	vst v1;
	v1 =	vmul.f32 $6.103515630e-05, v2  }
0xc2: {  	[tilespmem:s20+$0x13FA0] =	vst v3  }
0xc3: {  	[tilespmem:s20+$0x13F80] =	vst v1  }
0xc4: {  	[spmem:s2] =	stream.indirect.scatter.add.f32 [tilespmem:s18], [sflag:$0x2], $0x1, s17, s28, $0xb8;
	[tilespmem:$0x1C750] =	vst v63  }
0xc5: {  	_ = 	snop  }
0xc6: {  	[spmem:s4] =	stream.indirect.scatter.add.f32 [tilespmem:s9], [sflag:$0x2], $0x1, s17, s28, $0xb8;
	[tilespmem:$0x1C750] =	vst v63  }
0xc7: {  	_ =	swait.ge [sflag:s10], $0x2380  }
.Ltmp5:
0xc8: {  	[sflag:s10] =	ssyncset.done $0x0;
	(pc) =	sbr.rel @p1 .LBB2_10-.Ltmp5, $4  }
0xc9: {  	[sflag:s10] =	ssyncadd.s32 $0xFFFFDC80  }
0xca: {  	_ =	swait.ge [sflag:s10], $0x2380  }
0xcb: {  	[sflag:s10] =	ssyncset.done $0x0  }
0xcc: {  	[sflag:s10] =	ssyncadd.s32 $0xFFFFDC80  }
0xcd: {  	s6 =	smul.u32 $0x2380, s19;
	_ =	sdelay $0x1  }
0xce: {  	s6 =	sadd.s32 s11, s6  }
0xcf: {  	s6 =	sshrl.u32 s6, $0x2  }
.Ltmp6:
0xd0: {  	s6 =	sadd.s32 s6, s12;
	(pc) =	sbr.rel .LBB2_4-.Ltmp6, $4  }
0xd1: {  	[tilespmem:s26], [sflag:$0x3] =	stream.strided.gather [hbm4b:s6+s24], $0x2380, s25, s24, $0x38;
	[tilespmem:$0x1C750] =	vst v63  }
0xd2: {  	_ =	swait.ge [sflag:s22], $0x2380  }
0xd3: {  	[sflag:s22] =	ssyncset.done $0x0  }
0xd4: {  	s14 =	sadd.s32 $0x1, s14;
	[sflag:s22] =	ssyncadd.s32 $0xFFFFDC80  }
.LBB2_10:
0xd5: {  	_ =	swait.ge [sflag:s10], $0x2380  }
.Ltmp7:
0xd6: {  	[sflag:s10] =	ssyncset.done $0x0;
	(pc) =	sbr.rel @p0 .LBB2_12-.Ltmp7, $4  }
0xd7: {  	[sflag:s10] =	ssyncadd.s32 $0xFFFFDC80  }
0xd8: {  	_ =	swait.ge [sflag:s10], $0x2380  }
0xd9: {  	[sflag:s10] =	ssyncset.done $0x0  }
0xda: {  	[sflag:s10] =	ssyncadd.s32 $0xFFFFDC80  }
0xdb: {  	s6 =	simm.s32 $0x0;
	s14 =	rddreg [dreg:$0xc];
	s16 =	simm.s32 $0x16300  }
0xdc: {  	[tilespmem:s16], [sflag:$0x3] =	stream.linear.gather [hbm4b:s14+s6], $0x80, $0x38;
	[tilespmem:$0x1C750] =	vst v63  }
0xdd: {  	_ =	swait.ge [sflag:s22], $0x80  }
0xde: {  	[sflag:s22] =	ssyncset.done $0x0  }
0xdf: {  	s19 =	simm.s32 $0x16380;
	s23 =	rddreg [dreg:$0xd];
	[sflag:s22] =	ssyncadd.s32 $0xFFFFFF80  }
0xe0: {  	[tilespmem:s19], [sflag:$0x3] =	stream.linear.gather [hbm4b:s23+s6], $0x80, $0x38;
	[tilespmem:$0x1C750] =	vst v63  }
0xe1: {  	_ =	swait.ge [sflag:s22], $0x80  }
0xe2: {  	[sflag:s22] =	ssyncset.done $0x0  }
0xe3: {  	s14 =	simm.s32 $0x16400;
	[sflag:s22] =	ssyncadd.s32 $0xFFFFFF80  }
0xe4: {  	[tilespmem:s14], [sflag:$0x1] =	stream.indirect.gather [spmem:s5], $0x1, s16, s24, $0xb8;
	[tilespmem:$0x1C750] =	vst v63  }
0xe5: {  	_ =	swait.ge [sflag:s30], $0x80  }
0xe6: {  	[sflag:s30] =	ssyncset.done $0x0  }
0xe7: {  	[sflag:s30] =	ssyncadd.s32 $0xFFFFFF80  }
0xe8: {  	v1 =	vld [tilespmem:$0x16400]  }
0xe9: {  	v2 =	vld [tilespmem:$0x16410]  }
0xea: {  	v4 =	vld [tilespmem:$0x16420]  }
0xeb: {  	v6 =	vld [tilespmem:$0x16430]  }
0xec: {  	v8 =	vld [tilespmem:$0x16440]  }
0xed: {  	v10 =	vld [tilespmem:$0x16450]  }
0xee: {  	v3 =	vshra.s32 v1, $0x10  }
0xef: {  	v1 =	vshll.u32 v1, $0x10;
	v5 =	vshra.s32 v2, $0x10;
	v2 =	vshll.u32 v2, $0x10  }
0xf0: {  	v7 =	vshra.s32 v4, $0x10;
	v4 =	vshll.u32 v4, $0x10;
	v9 =	vshra.s32 v6, $0x10  }
0xf1: {  	v6 =	vshll.u32 v6, $0x10;
	v49 =	vshra.s32 v8, $0x10;
	v3 =	vcvt.s32.f32 v3  }
0xf2: {  	v50 =	vshll.u32 v8, $0x10;
	v53 =	vshra.s32 v10, $0x10;
	v5 =	vcvt.s32.f32 v5  }
0xf3: {  	v51 =	vld [tilespmem:$0x16460];
	v1 =	vshra.s32 v1, $0x10;
	v46 =	vcvt.s32.f32 v9;
	v3 =	vmul.f32 $6.103515630e-05, v3  }
0xf4: {  	v2 =	vshra.s32 v2, $0x10;
	v1 =	vcvt.s32.f32 v1;
	v5 =	vmul.f32 $6.103515630e-05, v5  }
0xf5: {  	v54 =	vshll.u32 v10, $0x10;
	v2 =	vcvt.s32.f32 v2;
	v48 =	vmul.f32 $6.103515630e-05, v46;
	[tilespmem:$0x16480] =	vst v3  }
0xf6: {  	v4 =	vshra.s32 v4, $0x10;
	v7 =	vcvt.s32.f32 v7;
	v1 =	vmul.f32 $6.103515630e-05, v1;
	[tilespmem:$0x16490] =	vst v5  }
0xf7: {  	v55 =	vld [tilespmem:$0x16470];
	v6 =	vshra.s32 v6, $0x10;
	v4 =	vcvt.s32.f32 v4;
	v2 =	vmul.f32 $6.103515630e-05, v2;
	[tilespmem:$0x164B0] =	vst v48  }
0xf8: {  	v58 =	vshra.s32 v51, $0x10;
	v47 =	vcvt.s32.f32 v6;
	v3 =	vmul.f32 $6.103515630e-05, v7;
	[tilespmem:$0x16500] =	vst v1  }
0xf9: {  	v52 =	vshra.s32 v50, $0x10;
	v6 =	vcvt.s32.f32 v49;
	v1 =	vmul.f32 $6.103515630e-05, v4;
	[tilespmem:$0x16510] =	vst v2  }
0xfa: {  	v59 =	vshll.u32 v51, $0x10;
	v2 =	vmul.f32 $6.103515630e-05, v47;
	[tilespmem:$0x164A0] =	vst v3;
	v3 =	vcvt.s32.f32 v52  }
0xfb: {  	v56 =	vshra.s32 v54, $0x10;
	v4 =	vcvt.s32.f32 v53;
	[tilespmem:$0x16520] =	vst v1;
	v1 =	vmul.f32 $6.103515630e-05, v6  }
0xfc: {  	v61 =	vshra.s32 v55, $0x10;
	v57 =	vcvt.s32.f32 v56;
	[tilespmem:$0x16530] =	vst v2;
	v3 =	vmul.f32 $6.103515630e-05, v3  }
0xfd: {  	v60 =	vshra.s32 v59, $0x10;
	v2 =	vmul.f32 $6.103515630e-05, v4;
	v4 =	vcvt.s32.f32 v58;
	[tilespmem:$0x164C0] =	vst v1  }
0xfe: {  	v62 =	vshll.u32 v55, $0x10;
	v1 =	vmul.f32 $6.103515630e-05, v57;
	[tilespmem:$0x16540] =	vst v3;
	v3 =	vcvt.s32.f32 v60  }
0xff: {  	v63 =	vshra.s32 v62, $0x10;
	v5 =	vcvt.s32.f32 v61;
	[tilespmem:$0x164D0] =	vst v2;
	v2 =	vmul.f32 $6.103515630e-05, v4  }
0x100: {  	[tilespmem:$0x16550] =	vst v1;
	v1 =	vmul.f32 $6.103515630e-05, v3;
	v3 =	vcvt.s32.f32 v63  }
0x101: {  	[tilespmem:$0x164E0] =	vst v2;
	v2 =	vmul.f32 $6.103515630e-05, v5  }
0x102: {  	[tilespmem:$0x16560] =	vst v1;
	v1 =	vmul.f32 $6.103515630e-05, v3  }
0x103: {  	[tilespmem:$0x164F0] =	vst v2  }
0x104: {  	s20 =	simm.s32 $0x16480;
	[tilespmem:$0x16570] =	vst v1  }
0x105: {  	[spmem:s2] =	stream.indirect.scatter.add.f32 [tilespmem:s20], [sflag:$0x3], $0x1, s19, s24, $0xb8;
	[tilespmem:$0x1C750] =	vst v63  }
0x106: {  	_ =	swait.ge [sflag:s22], $0x80  }
0x107: {  	[sflag:s22] =	ssyncset.done $0x0  }
.Ltmp8:
0x108: {  	s23 =	simm.s32 $0x16500;
	[sflag:s22] =	ssyncadd.s32 $0xFFFFFF80;
	(pc) =	sbr.rel .LBB2_12-.Ltmp8, $4  }
0x109: {  	[spmem:s4] =	stream.indirect.scatter.add.f32 [tilespmem:s23], [sflag:$0x3], $0x1, s19, s24, $0xb8;
	[tilespmem:$0x1C750] =	vst v63  }
0x10a: {  	_ =	swait.ge [sflag:s22], $0x80  }
0x10b: {  	[sflag:s22] =	ssyncset.done $0x0  }
0x10c: {  	[sflag:s22] =	ssyncadd.s32 $0xFFFFFF80  }
.LBB2_13:
0x10d: {  	_ =	sfence.sel $0x180000  }
0x10e: {  	[bflag:$0x0] =	sbarrier.arrive $0xFFFF  }
0x10f: {  	_ =	strace $0x90000047  }
0x110: {  	s0 =	stileid.u32;
	[bflag:$0x2] =	sbarrier.arrive $0xFFFF  }
0x111: {  	p0 =	sne.s32 s0, $0x0;
	s0 =	rddreg [dreg:$0x6]  }
0x112: {  	s0 =	sadd.s32 @!p0 $0x100000, s0  }
0x113: {  	[sflag:s0] =	ssyncadd.tile.s32 @!p0 $0x1;
	_ =	shalt  }
.Lfunc_end2:
_tile_overlayer_lowered:
.L_overlay_start_2:
0x114: {  	(tag) =	ssettag $0x2  }
0x115: {  	s0 =	rddreg [dreg:$0x0];
	s2 =	stileid.u32  }
0x116: {  	s1 =	rddreg [dreg:$0x1];
	p0 =	sne.s32 s2, $0x0  }
0x117: {  	s3 =	rddreg [dreg:$0x2];
	[bflag:$0x3] =	sbarrier.arrive $0xFFFF;
	s2 =	simm.s32 @!p0 $0x1C03  }
0x118: {  	[timem:s3], [sflag:s2] =	dma.local @!p0 [hbm:s0], s1  }
0x119: {  	s0 =	simm.s32 @!p0 $0x3  }
0x11a: {  	_ =	swait.ge @!p0 [sflag:s0], s1  }
0x11b: {  	s1 =	ssub.s32 @!p0 $0x0, s1;
	[sflag:s0] =	ssyncset.done @!p0 $0x0  }
0x11c: {  	[sflag:s0] =	ssyncadd.s32 @!p0 s1  }
0x11d: {  	[bflag:$0x3] =	sbarrier.arrive $0xFFFF  }
0x11e: {  	_ =	shalt  }

</sc_bundles>
